<compile_context>
chip_gen: v7x
topology: tpu7x:2x2x1
jax: 0.10.2.dev20260603
libtpu: 0.0.44.dev20260713+nightly
codegen_flags: <defaults>
</compile_context>

<pallas_src>
import functools

import jax
import jax.numpy as jnp
from jax import lax
from jax.experimental import pallas as pl
from jax.experimental.pallas import tpu as pltpu
from jax.experimental.pallas import tpu_sc as plsc

_B = 16384
_C = 20
_NEG = 20
_D = 64
_K = _C + _NEG
_NC = 2
_NS = 16
_NW = _NC * _NS
_L = 16
_DV = _D // _L
_RPW = _B // _NW
_RCH = 16
_NCH = _RPW // _RCH
_GPC = _RCH * _K // 128


def _sc_gather_reduce(idx2d, t, W_in, W_out):
  mesh = plsc.VectorSubcoreMesh(
      core_axis_name="c", subcore_axis_name="s",
      num_cores=_NC, num_subcores=_NS)

  @functools.partial(
      pl.kernel,
      out_type=(jax.ShapeDtypeStruct((_B, _L), jnp.float32),
                jax.ShapeDtypeStruct((_B, _L), jnp.float32)),
      mesh=mesh,
      compiler_params=pltpu.CompilerParams(use_tc_tiling_on_sc=False),
      scratch_types=[
          pltpu.VMEM((_RCH * _K,), jnp.int32),
          pltpu.VMEM((_RCH,), jnp.int32),
          pltpu.VMEM((_RCH * _K, _D), jnp.float32),
          pltpu.VMEM((_RCH, _D), jnp.float32),
          pltpu.VMEM((_RCH, _L), jnp.float32),
          pltpu.VMEM((_RCH, _L), jnp.float32),
          pltpu.SemaphoreType.DMA,
      ],
  )
  def sc_k(idx_hbm, t_hbm, win_hbm, wout_hbm, pos_hbm, neg_hbm,
           idx_v, t_v, rows_v, vrow_v, posb, negb, sem):
    wid = lax.axis_index("s") * _NC + lax.axis_index("c")

    def chunk_body(c, carry):
      row0 = wid * _RPW + c * _RCH
      ibase = row0 * _K
      pltpu.sync_copy(idx_hbm.at[pl.ds(ibase, _RCH * _K)], idx_v)
      pltpu.sync_copy(t_hbm.at[pl.ds(row0, _RCH)], t_v)
      cps = [pltpu.async_copy(wout_hbm.at[idx_v.at[pl.ds(j * 128, 128)]],
                              rows_v.at[pl.ds(j * 128, 128)], sem)
             for j in range(_GPC)]
      cps.append(pltpu.async_copy(win_hbm.at[t_v], vrow_v, sem))
      for cp in cps:
        cp.wait()

      def row_body(r, rcarry):
        base = r * _K
        accp = [rows_v[base, pl.ds(k * _L, _L)] for k in range(_DV)]
        for j in range(1, _C):
          for k in range(_DV):
            accp[k] = accp[k] + rows_v[base + j, pl.ds(k * _L, _L)]
        accn = [rows_v[base + _C, pl.ds(k * _L, _L)] for k in range(_DV)]
        for j in range(_C + 1, _K):
          for k in range(_DV):
            accn[k] = accn[k] + rows_v[base + j, pl.ds(k * _L, _L)]
        wp = jnp.zeros((_L,), jnp.float32)
        wn = jnp.zeros((_L,), jnp.float32)
        for k in range(_DV):
          vk = vrow_v[r, pl.ds(k * _L, _L)]
          wp = wp + accp[k] * vk
          wn = wn + accn[k] * vk
        posb[r, :] = wp
        negb[r, :] = wn
        return rcarry

      lax.fori_loop(0, _RCH, row_body, 0)
      pltpu.sync_copy(posb, pos_hbm.at[pl.ds(row0, _RCH)])
      pltpu.sync_copy(negb, neg_hbm.at[pl.ds(row0, _RCH)])
      return carry

    lax.fori_loop(0, _NCH, chunk_body, 0)

  return sc_k(idx2d, t, W_in, W_out)


def _tc_loss(pos_part, neg_part):
  def body(p_ref, n_ref, o_ref):
    ps = jnp.sum(p_ref[...], axis=1)
    ns = jnp.sum(n_ref[...], axis=1)
    lp = jnp.minimum(ps, 0.0) - jnp.log(1.0 + jnp.exp(-jnp.abs(ps)))
    x = -ns
    ln = jnp.minimum(x, 0.0) - jnp.log(1.0 + jnp.exp(-jnp.abs(x)))
    o_ref[0, 0] = -(jnp.sum(lp + ln) / _B)

  return pl.pallas_call(
      body,
      out_shape=jax.ShapeDtypeStruct((1, 1), jnp.float32),
      out_specs=pl.BlockSpec(memory_space=pltpu.SMEM),
  )(pos_part, neg_part)


def kernel(target_input, context, neg, W_in, W_out):
  t = target_input.reshape(_B)
  idx1d = jnp.concatenate([context, neg], axis=1).reshape(_B * _K)
  pos_part, neg_part = _sc_gather_reduce(idx1d, t, W_in, W_out)
  return _tc_loss(pos_part, neg_part).reshape(())

# --- scband reference (transcript-rebuilt; emitter-appended) ---
"""Pipeline reference for scband-word2-vec-model-29283087024298 (READ-ONLY COPY).

The authoritative reference and input builder live on the scoring server;
editing this copy changes nothing except your own understanding.
"""

import jax, jax.numpy as jnp
import numpy as np

VOCAB = 100000
DIM = 64
B = 16384
C = 20
NEG = 20


def setup_inputs(seed: int = 0) -> dict:
    key = jax.random.key(seed)
    k1, k2, k3, k4 = jax.random.split(key, 4)
    initrange = (2.0 / (VOCAB + DIM)) ** 0.5
    W_in = jax.random.uniform(k1, (VOCAB, DIM), dtype=jnp.float32, minval=-initrange, maxval=initrange)
    W_out = jnp.zeros((VOCAB, DIM), dtype=jnp.float32)
    target_input = jax.random.randint(k2, (B, 1), 0, VOCAB, dtype=jnp.int64 if jax.config.jax_enable_x64 else jnp.int32).astype(jnp.int32)
    context = jax.random.randint(k3, (B, C), 0, VOCAB).astype(jnp.int32)
    neg = jax.random.randint(k4, (B, NEG), 0, VOCAB).astype(jnp.int32)
    return {"target_input": target_input, "context": context, "neg": neg, "W_in": W_in, "W_out": W_out}


def reference(target_input, context, neg, W_in, W_out):
    t = jnp.squeeze(target_input, axis=-1)  # [B]
    v = jnp.take(W_in, t, axis=0)           # [B, D] gather
    u = jnp.take(W_out, context, axis=0)    # [B, C, D] gather
    # bmm(u, v.unsqueeze(2)).squeeze(2) == einsum
    pos_val = jnp.einsum('bcd,bd->bc', u, v)              # [B, C]
    positive_val = jax.nn.log_sigmoid(jnp.sum(pos_val, axis=1))  # [B]
    u_hat = jnp.take(W_out, neg, axis=0)    # [B, NEG, D] gather
    neg_vals = jnp.einsum('bnd,bd->bn', u_hat, v)         # [B, NEG]
    neg_val = jax.nn.log_sigmoid(-jnp.sum(neg_vals, axis=1))    # [B]
    loss = positive_val + neg_val
    return -jnp.mean(loss)

if __name__ == "__main__":
    import jax
    _d = setup_inputs()
    print(jax.jit(kernel)(*tuple(_d.values())))

</pallas_src>

<mosaic_0001>
#map = affine_map<(d0, d1) -> (0)>
#map1 = affine_map<(d0, d1) -> (0, 0)>
module attributes {stable_mosaic.version = 14 : i64} {
  func.func @sc_k(%arg0: i32, %arg1: i32, %arg2: memref<655360xi32, #tpu.memory_space<hbm>>, %arg3: memref<16384xi32, #tpu.memory_space<hbm>>, %arg4: memref<100000x64xf32, #tpu.memory_space<hbm>>, %arg5: memref<100000x64xf32, #tpu.memory_space<hbm>>, %arg6: memref<16384x16xf32, #tpu.memory_space<hbm>>, %arg7: memref<16384x16xf32, #tpu.memory_space<hbm>>, %arg8: memref<640xi32, #tpu.memory_space<vmem>>, %arg9: memref<16xi32, #tpu.memory_space<vmem>>, %arg10: memref<640x64xf32, #tpu.memory_space<vmem>>, %arg11: memref<16x64xf32, #tpu.memory_space<vmem>>, %arg12: memref<16x16xf32, #tpu.memory_space<vmem>>, %arg13: memref<16x16xf32, #tpu.memory_space<vmem>>, %arg14: memref<!tpu.dma_semaphore, #tpu.memory_space<semaphore_mem>>) attributes {dimension_semantics = [#tpu.dimension_semantics<core_parallel>, #tpu.dimension_semantics<subcore_parallel>], iteration_bounds = array<i64: 2, 16>, scalar_prefetch = 0 : i64, scratch_operands = 7 : i64, tpu.core_type = #tpu.core_type<sc_vector_subcore>, window_params = [{transform_indices = #map}, {transform_indices = #map}, {transform_indices = #map1}, {transform_indices = #map1}, {transform_indices = #map1}, {transform_indices = #map1}]} {
    %mul3A = arith.constant 2 : i32
    %mul3A_0 = arith.muli %arg1, %mul3A : i32
    %add3A = arith.addi %mul3A_0, %arg0 : i32
    %scan3A = arith.constant 0 : i32
    %scan3A_1 = arith.constant 0 : i32
    %scan3A_2 = arith.constant 32 : i32
    %scan3A_3 = arith.addi %scan3A_1, %scan3A_2 : i32
    %scan3A_4 = arith.constant 1 : i32
    scf.for %scan3A_6 = %scan3A_1 to %scan3A_3 step %scan3A_4  : i32 {
      %mul3A_7 = arith.constant 512 : i32
      %mul3A_8 = arith.muli %add3A, %mul3A_7 : i32
      %mul3A_9 = arith.constant 16 : i32
      %mul3A_10 = arith.muli %scan3A_6, %mul3A_9 : i32
      %add3A_11 = arith.addi %mul3A_8, %mul3A_10 : i32
      %mul3A_12 = arith.constant 40 : i32
      %mul3A_13 = arith.muli %add3A_11, %mul3A_12 : i32
      "tpu.region"() ({
        %run_scoped3A = tpu.sem_alloc : memref<!tpu.dma_semaphore, #tpu.memory_space<semaphore_mem>>
        %dma_start3A_104 = tpu.memref_slice %arg2[%mul3A_13] : memref<655360xi32, #tpu.memory_space<hbm>> -> memref<640xi32, #tpu.memory_space<hbm>>
        %dma_start3A_105 = tpu.memref_slice %arg2[%mul3A_13] : memref<655360xi32, #tpu.memory_space<hbm>> -> memref<640xi32, #tpu.memory_space<hbm>>
        tpu.enqueue_dma source(%dma_start3A_105 : memref<640xi32, #tpu.memory_space<hbm>>) target(%arg8 : memref<640xi32, #tpu.memory_space<vmem>>) target_semaphore(%run_scoped3A : memref<!tpu.dma_semaphore, #tpu.memory_space<semaphore_mem>>)
        %dma_wait3A_106 = tpu.memref_slice %arg2[%mul3A_13] : memref<655360xi32, #tpu.memory_space<hbm>> -> memref<640xi32, #tpu.memory_space<hbm>>
        %dma_wait3A_107 = tpu.memref_slice %arg2[%mul3A_13] : memref<655360xi32, #tpu.memory_space<hbm>> -> memref<640xi32, #tpu.memory_space<hbm>>
        tpu.wait_dma2 semaphore(%run_scoped3A : memref<!tpu.dma_semaphore, #tpu.memory_space<semaphore_mem>>) src(%dma_wait3A_107 : memref<640xi32, #tpu.memory_space<hbm>>) dst(%arg8 : memref<640xi32, #tpu.memory_space<vmem>>)
        tpu.yield
      }) : () -> ()
      "tpu.region"() ({
        %run_scoped3A = tpu.sem_alloc : memref<!tpu.dma_semaphore, #tpu.memory_space<semaphore_mem>>
        %dma_start3A_104 = tpu.memref_slice %arg3[%add3A_11] : memref<16384xi32, #tpu.memory_space<hbm>> -> memref<16xi32, #tpu.memory_space<hbm>>
        %dma_start3A_105 = tpu.memref_slice %arg3[%add3A_11] : memref<16384xi32, #tpu.memory_space<hbm>> -> memref<16xi32, #tpu.memory_space<hbm>>
        tpu.enqueue_dma source(%dma_start3A_105 : memref<16xi32, #tpu.memory_space<hbm>>) target(%arg9 : memref<16xi32, #tpu.memory_space<vmem>>) target_semaphore(%run_scoped3A : memref<!tpu.dma_semaphore, #tpu.memory_space<semaphore_mem>>)
        %dma_wait3A_106 = tpu.memref_slice %arg3[%add3A_11] : memref<16384xi32, #tpu.memory_space<hbm>> -> memref<16xi32, #tpu.memory_space<hbm>>
        %dma_wait3A_107 = tpu.memref_slice %arg3[%add3A_11] : memref<16384xi32, #tpu.memory_space<hbm>> -> memref<16xi32, #tpu.memory_space<hbm>>
        tpu.wait_dma2 semaphore(%run_scoped3A : memref<!tpu.dma_semaphore, #tpu.memory_space<semaphore_mem>>) src(%dma_wait3A_107 : memref<16xi32, #tpu.memory_space<hbm>>) dst(%arg9 : memref<16xi32, #tpu.memory_space<vmem>>)
        tpu.yield
      }) : () -> ()
      %dma_start3A = arith.constant 0 : i32
      %dma_start3A_14 = arith.constant 0 : i32
      %dma_start3A_15 = tpu.memref_slice %arg10[%dma_start3A, %dma_start3A_14] : memref<640x64xf32, #tpu.memory_space<vmem>> -> memref<128x64xf32, #tpu.memory_space<vmem>>
      %dma_start3A_16 = arith.constant 0 : i32
      %dma_start3A_17 = tpu.memref_slice %arg8[%dma_start3A_16] : memref<640xi32, #tpu.memory_space<vmem>> -> memref<128xi32, #tpu.memory_space<vmem>>
      %dma_start3A_18 = arith.constant 0 : i32
      %dma_start3A_19 = arith.constant 0 : i32
      %dma_start3A_20 = tpu.memref_slice %arg5[%dma_start3A_18, %dma_start3A_19] : memref<100000x64xf32, #tpu.memory_space<hbm>> -> memref<100000x64xf32, #tpu.memory_space<hbm>>
      tpu.enqueue_indirect_dma source(%dma_start3A_20 : memref<100000x64xf32, #tpu.memory_space<hbm>>) target(%dma_start3A_15 : memref<128x64xf32, #tpu.memory_space<vmem>>) offsets(%dma_start3A_17 : memref<128xi32, #tpu.memory_space<vmem>>) semaphore(%arg14 : memref<!tpu.dma_semaphore, #tpu.memory_space<semaphore_mem>>)
      %dma_start3A_21 = arith.constant 128 : i32
      %dma_start3A_22 = arith.constant 0 : i32
      %dma_start3A_23 = tpu.memref_slice %arg10[%dma_start3A_21, %dma_start3A_22] : memref<640x64xf32, #tpu.memory_space<vmem>> -> memref<128x64xf32, #tpu.memory_space<vmem>>
      %dma_start3A_24 = arith.constant 128 : i32
      %dma_start3A_25 = tpu.memref_slice %arg8[%dma_start3A_24] : memref<640xi32, #tpu.memory_space<vmem>> -> memref<128xi32, #tpu.memory_space<vmem>>
      %dma_start3A_26 = arith.constant 0 : i32
      %dma_start3A_27 = arith.constant 0 : i32
      %dma_start3A_28 = tpu.memref_slice %arg5[%dma_start3A_26, %dma_start3A_27] : memref<100000x64xf32, #tpu.memory_space<hbm>> -> memref<100000x64xf32, #tpu.memory_space<hbm>>
      tpu.enqueue_indirect_dma source(%dma_start3A_28 : memref<100000x64xf32, #tpu.memory_space<hbm>>) target(%dma_start3A_23 : memref<128x64xf32, #tpu.memory_space<vmem>>) offsets(%dma_start3A_25 : memref<128xi32, #tpu.memory_space<vmem>>) semaphore(%arg14 : memref<!tpu.dma_semaphore, #tpu.memory_space<semaphore_mem>>)
      %dma_start3A_29 = arith.constant 256 : i32
      %dma_start3A_30 = arith.constant 0 : i32
      %dma_start3A_31 = tpu.memref_slice %arg10[%dma_start3A_29, %dma_start3A_30] : memref<640x64xf32, #tpu.memory_space<vmem>> -> memref<128x64xf32, #tpu.memory_space<vmem>>
      %dma_start3A_32 = arith.constant 256 : i32
      %dma_start3A_33 = tpu.memref_slice %arg8[%dma_start3A_32] : memref<640xi32, #tpu.memory_space<vmem>> -> memref<128xi32, #tpu.memory_space<vmem>>
      %dma_start3A_34 = arith.constant 0 : i32
      %dma_start3A_35 = arith.constant 0 : i32
      %dma_start3A_36 = tpu.memref_slice %arg5[%dma_start3A_34, %dma_start3A_35] : memref<100000x64xf32, #tpu.memory_space<hbm>> -> memref<100000x64xf32, #tpu.memory_space<hbm>>
      tpu.enqueue_indirect_dma source(%dma_start3A_36 : memref<100000x64xf32, #tpu.memory_space<hbm>>) target(%dma_start3A_31 : memref<128x64xf32, #tpu.memory_space<vmem>>) offsets(%dma_start3A_33 : memref<128xi32, #tpu.memory_space<vmem>>) semaphore(%arg14 : memref<!tpu.dma_semaphore, #tpu.memory_space<semaphore_mem>>)
      %dma_start3A_37 = arith.constant 384 : i32
      %dma_start3A_38 = arith.constant 0 : i32
      %dma_start3A_39 = tpu.memref_slice %arg10[%dma_start3A_37, %dma_start3A_38] : memref<640x64xf32, #tpu.memory_space<vmem>> -> memref<128x64xf32, #tpu.memory_space<vmem>>
      %dma_start3A_40 = arith.constant 384 : i32
      %dma_start3A_41 = tpu.memref_slice %arg8[%dma_start3A_40] : memref<640xi32, #tpu.memory_space<vmem>> -> memref<128xi32, #tpu.memory_space<vmem>>
      %dma_start3A_42 = arith.constant 0 : i32
      %dma_start3A_43 = arith.constant 0 : i32
      %dma_start3A_44 = tpu.memref_slice %arg5[%dma_start3A_42, %dma_start3A_43] : memref<100000x64xf32, #tpu.memory_space<hbm>> -> memref<100000x64xf32, #tpu.memory_space<hbm>>
      tpu.enqueue_indirect_dma source(%dma_start3A_44 : memref<100000x64xf32, #tpu.memory_space<hbm>>) target(%dma_start3A_39 : memref<128x64xf32, #tpu.memory_space<vmem>>) offsets(%dma_start3A_41 : memref<128xi32, #tpu.memory_space<vmem>>) semaphore(%arg14 : memref<!tpu.dma_semaphore, #tpu.memory_space<semaphore_mem>>)
      %dma_start3A_45 = arith.constant 512 : i32
      %dma_start3A_46 = arith.constant 0 : i32
      %dma_start3A_47 = tpu.memref_slice %arg10[%dma_start3A_45, %dma_start3A_46] : memref<640x64xf32, #tpu.memory_space<vmem>> -> memref<128x64xf32, #tpu.memory_space<vmem>>
      %dma_start3A_48 = arith.constant 512 : i32
      %dma_start3A_49 = tpu.memref_slice %arg8[%dma_start3A_48] : memref<640xi32, #tpu.memory_space<vmem>> -> memref<128xi32, #tpu.memory_space<vmem>>
      %dma_start3A_50 = arith.constant 0 : i32
      %dma_start3A_51 = arith.constant 0 : i32
      %dma_start3A_52 = tpu.memref_slice %arg5[%dma_start3A_50, %dma_start3A_51] : memref<100000x64xf32, #tpu.memory_space<hbm>> -> memref<100000x64xf32, #tpu.memory_space<hbm>>
      tpu.enqueue_indirect_dma source(%dma_start3A_52 : memref<100000x64xf32, #tpu.memory_space<hbm>>) target(%dma_start3A_47 : memref<128x64xf32, #tpu.memory_space<vmem>>) offsets(%dma_start3A_49 : memref<128xi32, #tpu.memory_space<vmem>>) semaphore(%arg14 : memref<!tpu.dma_semaphore, #tpu.memory_space<semaphore_mem>>)
      %dma_start3A_53 = arith.constant 0 : i32
      %dma_start3A_54 = arith.constant 0 : i32
      %dma_start3A_55 = tpu.memref_slice %arg4[%dma_start3A_53, %dma_start3A_54] : memref<100000x64xf32, #tpu.memory_space<hbm>> -> memref<100000x64xf32, #tpu.memory_space<hbm>>
      tpu.enqueue_indirect_dma source(%dma_start3A_55 : memref<100000x64xf32, #tpu.memory_space<hbm>>) target(%arg11 : memref<16x64xf32, #tpu.memory_space<vmem>>) offsets(%arg9 : memref<16xi32, #tpu.memory_space<vmem>>) semaphore(%arg14 : memref<!tpu.dma_semaphore, #tpu.memory_space<semaphore_mem>>)
      %dma_wait3A = arith.constant 0 : i32
      %dma_wait3A_56 = arith.constant 0 : i32
      %dma_wait3A_57 = tpu.memref_slice %arg10[%dma_wait3A, %dma_wait3A_56] : memref<640x64xf32, #tpu.memory_space<vmem>> -> memref<128x64xf32, #tpu.memory_space<vmem>>
      %dma_wait3A_58 = arith.constant 0 : i32
      %dma_wait3A_59 = tpu.memref_slice %arg8[%dma_wait3A_58] : memref<640xi32, #tpu.memory_space<vmem>> -> memref<128xi32, #tpu.memory_space<vmem>>
      %dma_wait3A_60 = arith.constant 0 : i32
      %dma_wait3A_61 = arith.constant 0 : i32
      %dma_wait3A_62 = tpu.memref_slice %arg5[%dma_wait3A_60, %dma_wait3A_61] : memref<100000x64xf32, #tpu.memory_space<hbm>> -> memref<100000x64xf32, #tpu.memory_space<hbm>>
      tpu.wait_indirect_dma semaphore(%arg14 : memref<!tpu.dma_semaphore, #tpu.memory_space<semaphore_mem>>) src(%dma_wait3A_62 : memref<100000x64xf32, #tpu.memory_space<hbm>>) dst(%dma_wait3A_57 : memref<128x64xf32, #tpu.memory_space<vmem>>)
      %dma_wait3A_63 = arith.constant 128 : i32
      %dma_wait3A_64 = arith.constant 0 : i32
      %dma_wait3A_65 = tpu.memref_slice %arg10[%dma_wait3A_63, %dma_wait3A_64] : memref<640x64xf32, #tpu.memory_space<vmem>> -> memref<128x64xf32, #tpu.memory_space<vmem>>
      %dma_wait3A_66 = arith.constant 128 : i32
      %dma_wait3A_67 = tpu.memref_slice %arg8[%dma_wait3A_66] : memref<640xi32, #tpu.memory_space<vmem>> -> memref<128xi32, #tpu.memory_space<vmem>>
      %dma_wait3A_68 = arith.constant 0 : i32
      %dma_wait3A_69 = arith.constant 0 : i32
      %dma_wait3A_70 = tpu.memref_slice %arg5[%dma_wait3A_68, %dma_wait3A_69] : memref<100000x64xf32, #tpu.memory_space<hbm>> -> memref<100000x64xf32, #tpu.memory_space<hbm>>
      tpu.wait_indirect_dma semaphore(%arg14 : memref<!tpu.dma_semaphore, #tpu.memory_space<semaphore_mem>>) src(%dma_wait3A_70 : memref<100000x64xf32, #tpu.memory_space<hbm>>) dst(%dma_wait3A_65 : memref<128x64xf32, #tpu.memory_space<vmem>>)
      %dma_wait3A_71 = arith.constant 256 : i32
      %dma_wait3A_72 = arith.constant 0 : i32
      %dma_wait3A_73 = tpu.memref_slice %arg10[%dma_wait3A_71, %dma_wait3A_72] : memref<640x64xf32, #tpu.memory_space<vmem>> -> memref<128x64xf32, #tpu.memory_space<vmem>>
      %dma_wait3A_74 = arith.constant 256 : i32
      %dma_wait3A_75 = tpu.memref_slice %arg8[%dma_wait3A_74] : memref<640xi32, #tpu.memory_space<vmem>> -> memref<128xi32, #tpu.memory_space<vmem>>
      %dma_wait3A_76 = arith.constant 0 : i32
      %dma_wait3A_77 = arith.constant 0 : i32
      %dma_wait3A_78 = tpu.memref_slice %arg5[%dma_wait3A_76, %dma_wait3A_77] : memref<100000x64xf32, #tpu.memory_space<hbm>> -> memref<100000x64xf32, #tpu.memory_space<hbm>>
      tpu.wait_indirect_dma semaphore(%arg14 : memref<!tpu.dma_semaphore, #tpu.memory_space<semaphore_mem>>) src(%dma_wait3A_78 : memref<100000x64xf32, #tpu.memory_space<hbm>>) dst(%dma_wait3A_73 : memref<128x64xf32, #tpu.memory_space<vmem>>)
      %dma_wait3A_79 = arith.constant 384 : i32
      %dma_wait3A_80 = arith.constant 0 : i32
      %dma_wait3A_81 = tpu.memref_slice %arg10[%dma_wait3A_79, %dma_wait3A_80] : memref<640x64xf32, #tpu.memory_space<vmem>> -> memref<128x64xf32, #tpu.memory_space<vmem>>
      %dma_wait3A_82 = arith.constant 384 : i32
      %dma_wait3A_83 = tpu.memref_slice %arg8[%dma_wait3A_82] : memref<640xi32, #tpu.memory_space<vmem>> -> memref<128xi32, #tpu.memory_space<vmem>>
      %dma_wait3A_84 = arith.constant 0 : i32
      %dma_wait3A_85 = arith.constant 0 : i32
      %dma_wait3A_86 = tpu.memref_slice %arg5[%dma_wait3A_84, %dma_wait3A_85] : memref<100000x64xf32, #tpu.memory_space<hbm>> -> memref<100000x64xf32, #tpu.memory_space<hbm>>
      tpu.wait_indirect_dma semaphore(%arg14 : memref<!tpu.dma_semaphore, #tpu.memory_space<semaphore_mem>>) src(%dma_wait3A_86 : memref<100000x64xf32, #tpu.memory_space<hbm>>) dst(%dma_wait3A_81 : memref<128x64xf32, #tpu.memory_space<vmem>>)
      %dma_wait3A_87 = arith.constant 512 : i32
      %dma_wait3A_88 = arith.constant 0 : i32
      %dma_wait3A_89 = tpu.memref_slice %arg10[%dma_wait3A_87, %dma_wait3A_88] : memref<640x64xf32, #tpu.memory_space<vmem>> -> memref<128x64xf32, #tpu.memory_space<vmem>>
      %dma_wait3A_90 = arith.constant 512 : i32
      %dma_wait3A_91 = tpu.memref_slice %arg8[%dma_wait3A_90] : memref<640xi32, #tpu.memory_space<vmem>> -> memref<128xi32, #tpu.memory_space<vmem>>
      %dma_wait3A_92 = arith.constant 0 : i32
      %dma_wait3A_93 = arith.constant 0 : i32
      %dma_wait3A_94 = tpu.memref_slice %arg5[%dma_wait3A_92, %dma_wait3A_93] : memref<100000x64xf32, #tpu.memory_space<hbm>> -> memref<100000x64xf32, #tpu.memory_space<hbm>>
      tpu.wait_indirect_dma semaphore(%arg14 : memref<!tpu.dma_semaphore, #tpu.memory_space<semaphore_mem>>) src(%dma_wait3A_94 : memref<100000x64xf32, #tpu.memory_space<hbm>>) dst(%dma_wait3A_89 : memref<128x64xf32, #tpu.memory_space<vmem>>)
      %dma_wait3A_95 = arith.constant 0 : i32
      %dma_wait3A_96 = arith.constant 0 : i32
      %dma_wait3A_97 = tpu.memref_slice %arg4[%dma_wait3A_95, %dma_wait3A_96] : memref<100000x64xf32, #tpu.memory_space<hbm>> -> memref<100000x64xf32, #tpu.memory_space<hbm>>
      tpu.wait_indirect_dma semaphore(%arg14 : memref<!tpu.dma_semaphore, #tpu.memory_space<semaphore_mem>>) src(%dma_wait3A_97 : memref<100000x64xf32, #tpu.memory_space<hbm>>) dst(%arg11 : memref<16x64xf32, #tpu.memory_space<vmem>>)
      %scan3A_98 = arith.constant 0 : i32
      %scan3A_99 = arith.constant 0 : i32
      %scan3A_100 = arith.constant 16 : i32
      %scan3A_101 = arith.addi %scan3A_99, %scan3A_100 : i32
      %scan3A_102 = arith.constant 1 : i32
      scf.for %scan3A_104 = %scan3A_99 to %scan3A_101 step %scan3A_102  : i32 {
        %mul3A_105 = arith.constant 40 : i32
        %mul3A_106 = arith.muli %scan3A_104, %mul3A_105 : i32
        %get3A = arith.index_cast %mul3A_106 : i32 to index
        %get3A_107 = arith.constant 0 : index
        %get3A_108 = tpu.vector_load %arg10[%get3A, %get3A_107] {strides = array<i32>} : memref<640x64xf32, #tpu.memory_space<vmem>>, vector<1x16xf32>,
        %get3A_109 = vector.shape_cast %get3A_108 : vector<1x16xf32> to vector<16xf32>
        %get3A_110 = arith.index_cast %mul3A_106 : i32 to index
        %get3A_111 = arith.constant 16 : index
        %get3A_112 = tpu.vector_load %arg10[%get3A_110, %get3A_111] {strides = array<i32>} : memref<640x64xf32, #tpu.memory_space<vmem>>, vector<1x16xf32>,
        %get3A_113 = vector.shape_cast %get3A_112 : vector<1x16xf32> to vector<16xf32>
        %get3A_114 = arith.index_cast %mul3A_106 : i32 to index
        %get3A_115 = arith.constant 32 : index
        %get3A_116 = tpu.vector_load %arg10[%get3A_114, %get3A_115] {strides = array<i32>} : memref<640x64xf32, #tpu.memory_space<vmem>>, vector<1x16xf32>,
        %get3A_117 = vector.shape_cast %get3A_116 : vector<1x16xf32> to vector<16xf32>
        %get3A_118 = arith.index_cast %mul3A_106 : i32 to index
        %get3A_119 = arith.constant 48 : index
        %get3A_120 = tpu.vector_load %arg10[%get3A_118, %get3A_119] {strides = array<i32>} : memref<640x64xf32, #tpu.memory_space<vmem>>, vector<1x16xf32>,
        %get3A_121 = vector.shape_cast %get3A_120 : vector<1x16xf32> to vector<16xf32>
        %add3A_122 = arith.constant 1 : i32
        %add3A_123 = arith.addi %mul3A_106, %add3A_122 : i32
        %get3A_124 = arith.index_cast %add3A_123 : i32 to index
        %get3A_125 = arith.constant 0 : index
        %get3A_126 = tpu.vector_load %arg10[%get3A_124, %get3A_125] {strides = array<i32>} : memref<640x64xf32, #tpu.memory_space<vmem>>, vector<1x16xf32>,
        %get3A_127 = vector.shape_cast %get3A_126 : vector<1x16xf32> to vector<16xf32>
        %add3A_128 = arith.addf %get3A_109, %get3A_127 : vector<16xf32>
        %add3A_129 = arith.constant 1 : i32
        %add3A_130 = arith.addi %mul3A_106, %add3A_129 : i32
        %get3A_131 = arith.index_cast %add3A_130 : i32 to index
        %get3A_132 = arith.constant 16 : index
        %get3A_133 = tpu.vector_load %arg10[%get3A_131, %get3A_132] {strides = array<i32>} : memref<640x64xf32, #tpu.memory_space<vmem>>, vector<1x16xf32>,
        %get3A_134 = vector.shape_cast %get3A_133 : vector<1x16xf32> to vector<16xf32>
        %add3A_135 = arith.addf %get3A_113, %get3A_134 : vector<16xf32>
        %add3A_136 = arith.constant 1 : i32
        %add3A_137 = arith.addi %mul3A_106, %add3A_136 : i32
        %get3A_138 = arith.index_cast %add3A_137 : i32 to index
        %get3A_139 = arith.constant 32 : index
        %get3A_140 = tpu.vector_load %arg10[%get3A_138, %get3A_139] {strides = array<i32>} : memref<640x64xf32, #tpu.memory_space<vmem>>, vector<1x16xf32>,
        %get3A_141 = vector.shape_cast %get3A_140 : vector<1x16xf32> to vector<16xf32>
        %add3A_142 = arith.addf %get3A_117, %get3A_141 : vector<16xf32>
        %add3A_143 = arith.constant 1 : i32
        %add3A_144 = arith.addi %mul3A_106, %add3A_143 : i32
        %get3A_145 = arith.index_cast %add3A_144 : i32 to index
        %get3A_146 = arith.constant 48 : index
        %get3A_147 = tpu.vector_load %arg10[%get3A_145, %get3A_146] {strides = array<i32>} : memref<640x64xf32, #tpu.memory_space<vmem>>, vector<1x16xf32>,
        %get3A_148 = vector.shape_cast %get3A_147 : vector<1x16xf32> to vector<16xf32>
        %add3A_149 = arith.addf %get3A_121, %get3A_148 : vector<16xf32>
        %add3A_150 = arith.constant 2 : i32
        %add3A_151 = arith.addi %mul3A_106, %add3A_150 : i32
        %get3A_152 = arith.index_cast %add3A_151 : i32 to index
        %get3A_153 = arith.constant 0 : index
        %get3A_154 = tpu.vector_load %arg10[%get3A_152, %get3A_153] {strides = array<i32>} : memref<640x64xf32, #tpu.memory_space<vmem>>, vector<1x16xf32>,
        %get3A_155 = vector.shape_cast %get3A_154 : vector<1x16xf32> to vector<16xf32>
        %add3A_156 = arith.addf %add3A_128, %get3A_155 : vector<16xf32>
        %add3A_157 = arith.constant 2 : i32
        %add3A_158 = arith.addi %mul3A_106, %add3A_157 : i32
        %get3A_159 = arith.index_cast %add3A_158 : i32 to index
        %get3A_160 = arith.constant 16 : index
        %get3A_161 = tpu.vector_load %arg10[%get3A_159, %get3A_160] {strides = array<i32>} : memref<640x64xf32, #tpu.memory_space<vmem>>, vector<1x16xf32>,
        %get3A_162 = vector.shape_cast %get3A_161 : vector<1x16xf32> to vector<16xf32>
        %add3A_163 = arith.addf %add3A_135, %get3A_162 : vector<16xf32>
        %add3A_164 = arith.constant 2 : i32
        %add3A_165 = arith.addi %mul3A_106, %add3A_164 : i32
        %get3A_166 = arith.index_cast %add3A_165 : i32 to index
        %get3A_167 = arith.constant 32 : index
        %get3A_168 = tpu.vector_load %arg10[%get3A_166, %get3A_167] {strides = array<i32>} : memref<640x64xf32, #tpu.memory_space<vmem>>, vector<1x16xf32>,
        %get3A_169 = vector.shape_cast %get3A_168 : vector<1x16xf32> to vector<16xf32>
        %add3A_170 = arith.addf %add3A_142, %get3A_169 : vector<16xf32>
        %add3A_171 = arith.constant 2 : i32
        %add3A_172 = arith.addi %mul3A_106, %add3A_171 : i32
        %get3A_173 = arith.index_cast %add3A_172 : i32 to index
        %get3A_174 = arith.constant 48 : index
        %get3A_175 = tpu.vector_load %arg10[%get3A_173, %get3A_174] {strides = array<i32>} : memref<640x64xf32, #tpu.memory_space<vmem>>, vector<1x16xf32>,
        %get3A_176 = vector.shape_cast %get3A_175 : vector<1x16xf32> to vector<16xf32>
        %add3A_177 = arith.addf %add3A_149, %get3A_176 : vector<16xf32>
        %add3A_178 = arith.constant 3 : i32
        %add3A_179 = arith.addi %mul3A_106, %add3A_178 : i32
        %get3A_180 = arith.index_cast %add3A_179 : i32 to index
        %get3A_181 = arith.constant 0 : index
        %get3A_182 = tpu.vector_load %arg10[%get3A_180, %get3A_181] {strides = array<i32>} : memref<640x64xf32, #tpu.memory_space<vmem>>, vector<1x16xf32>,
        %get3A_183 = vector.shape_cast %get3A_182 : vector<1x16xf32> to vector<16xf32>
        %add3A_184 = arith.addf %add3A_156, %get3A_183 : vector<16xf32>
        %add3A_185 = arith.constant 3 : i32
        %add3A_186 = arith.addi %mul3A_106, %add3A_185 : i32
        %get3A_187 = arith.index_cast %add3A_186 : i32 to index
        %get3A_188 = arith.constant 16 : index
        %get3A_189 = tpu.vector_load %arg10[%get3A_187, %get3A_188] {strides = array<i32>} : memref<640x64xf32, #tpu.memory_space<vmem>>, vector<1x16xf32>,
        %get3A_190 = vector.shape_cast %get3A_189 : vector<1x16xf32> to vector<16xf32>
        %add3A_191 = arith.addf %add3A_163, %get3A_190 : vector<16xf32>
        %add3A_192 = arith.constant 3 : i32
        %add3A_193 = arith.addi %mul3A_106, %add3A_192 : i32
        %get3A_194 = arith.index_cast %add3A_193 : i32 to index
        %get3A_195 = arith.constant 32 : index
        %get3A_196 = tpu.vector_load %arg10[%get3A_194, %get3A_195] {strides = array<i32>} : memref<640x64xf32, #tpu.memory_space<vmem>>, vector<1x16xf32>,
        %get3A_197 = vector.shape_cast %get3A_196 : vector<1x16xf32> to vector<16xf32>
        %add3A_198 = arith.addf %add3A_170, %get3A_197 : vector<16xf32>
        %add3A_199 = arith.constant 3 : i32
        %add3A_200 = arith.addi %mul3A_106, %add3A_199 : i32
        %get3A_201 = arith.index_cast %add3A_200 : i32 to index
        %get3A_202 = arith.constant 48 : index
        %get3A_203 = tpu.vector_load %arg10[%get3A_201, %get3A_202] {strides = array<i32>} : memref<640x64xf32, #tpu.memory_space<vmem>>, vector<1x16xf32>,
        %get3A_204 = vector.shape_cast %get3A_203 : vector<1x16xf32> to vector<16xf32>
        %add3A_205 = arith.addf %add3A_177, %get3A_204 : vector<16xf32>
        %add3A_206 = arith.constant 4 : i32
        %add3A_207 = arith.addi %mul3A_106, %add3A_206 : i32
        %get3A_208 = arith.index_cast %add3A_207 : i32 to index
        %get3A_209 = arith.constant 0 : index
        %get3A_210 = tpu.vector_load %arg10[%get3A_208, %get3A_209] {strides = array<i32>} : memref<640x64xf32, #tpu.memory_space<vmem>>, vector<1x16xf32>,
        %get3A_211 = vector.shape_cast %get3A_210 : vector<1x16xf32> to vector<16xf32>
        %add3A_212 = arith.addf %add3A_184, %get3A_211 : vector<16xf32>
        %add3A_213 = arith.constant 4 : i32
        %add3A_214 = arith.addi %mul3A_106, %add3A_213 : i32
        %get3A_215 = arith.index_cast %add3A_214 : i32 to index
        %get3A_216 = arith.constant 16 : index
        %get3A_217 = tpu.vector_load %arg10[%get3A_215, %get3A_216] {strides = array<i32>} : memref<640x64xf32, #tpu.memory_space<vmem>>, vector<1x16xf32>,
        %get3A_218 = vector.shape_cast %get3A_217 : vector<1x16xf32> to vector<16xf32>
        %add3A_219 = arith.addf %add3A_191, %get3A_218 : vector<16xf32>
        %add3A_220 = arith.constant 4 : i32
        %add3A_221 = arith.addi %mul3A_106, %add3A_220 : i32
        %get3A_222 = arith.index_cast %add3A_221 : i32 to index
        %get3A_223 = arith.constant 32 : index
        %get3A_224 = tpu.vector_load %arg10[%get3A_222, %get3A_223] {strides = array<i32>} : memref<640x64xf32, #tpu.memory_space<vmem>>, vector<1x16xf32>,
        %get3A_225 = vector.shape_cast %get3A_224 : vector<1x16xf32> to vector<16xf32>
        %add3A_226 = arith.addf %add3A_198, %get3A_225 : vector<16xf32>
        %add3A_227 = arith.constant 4 : i32
        %add3A_228 = arith.addi %mul3A_106, %add3A_227 : i32
        %get3A_229 = arith.index_cast %add3A_228 : i32 to index
        %get3A_230 = arith.constant 48 : index
        %get3A_231 = tpu.vector_load %arg10[%get3A_229, %get3A_230] {strides = array<i32>} : memref<640x64xf32, #tpu.memory_space<vmem>>, vector<1x16xf32>,
        %get3A_232 = vector.shape_cast %get3A_231 : vector<1x16xf32> to vector<16xf32>
        %add3A_233 = arith.addf %add3A_205, %get3A_232 : vector<16xf32>
        %add3A_234 = arith.constant 5 : i32
        %add3A_235 = arith.addi %mul3A_106, %add3A_234 : i32
        %get3A_236 = arith.index_cast %add3A_235 : i32 to index
        %get3A_237 = arith.constant 0 : index
        %get3A_238 = tpu.vector_load %arg10[%get3A_236, %get3A_237] {strides = array<i32>} : memref<640x64xf32, #tpu.memory_space<vmem>>, vector<1x16xf32>,
        %get3A_239 = vector.shape_cast %get3A_238 : vector<1x16xf32> to vector<16xf32>
        %add3A_240 = arith.addf %add3A_212, %get3A_239 : vector<16xf32>
        %add3A_241 = arith.constant 5 : i32
        %add3A_242 = arith.addi %mul3A_106, %add3A_241 : i32
        %get3A_243 = arith.index_cast %add3A_242 : i32 to index
        %get3A_244 = arith.constant 16 : index
        %get3A_245 = tpu.vector_load %arg10[%get3A_243, %get3A_244] {strides = array<i32>} : memref<640x64xf32, #tpu.memory_space<vmem>>, vector<1x16xf32>,
        %get3A_246 = vector.shape_cast %get3A_245 : vector<1x16xf32> to vector<16xf32>
        %add3A_247 = arith.addf %add3A_219, %get3A_246 : vector<16xf32>
        %add3A_248 = arith.constant 5 : i32
        %add3A_249 = arith.addi %mul3A_106, %add3A_248 : i32
        %get3A_250 = arith.index_cast %add3A_249 : i32 to index
        %get3A_251 = arith.constant 32 : index
        %get3A_252 = tpu.vector_load %arg10[%get3A_250, %get3A_251] {strides = array<i32>} : memref<640x64xf32, #tpu.memory_space<vmem>>, vector<1x16xf32>,
        %get3A_253 = vector.shape_cast %get3A_252 : vector<1x16xf32> to vector<16xf32>
        %add3A_254 = arith.addf %add3A_226, %get3A_253 : vector<16xf32>
        %add3A_255 = arith.constant 5 : i32
        %add3A_256 = arith.addi %mul3A_106, %add3A_255 : i32
        %get3A_257 = arith.index_cast %add3A_256 : i32 to index
        %get3A_258 = arith.constant 48 : index
        %get3A_259 = tpu.vector_load %arg10[%get3A_257, %get3A_258] {strides = array<i32>} : memref<640x64xf32, #tpu.memory_space<vmem>>, vector<1x16xf32>,
        %get3A_260 = vector.shape_cast %get3A_259 : vector<1x16xf32> to vector<16xf32>
        %add3A_261 = arith.addf %add3A_233, %get3A_260 : vector<16xf32>
        %add3A_262 = arith.constant 6 : i32
        %add3A_263 = arith.addi %mul3A_106, %add3A_262 : i32
        %get3A_264 = arith.index_cast %add3A_263 : i32 to index
        %get3A_265 = arith.constant 0 : index
        %get3A_266 = tpu.vector_load %arg10[%get3A_264, %get3A_265] {strides = array<i32>} : memref<640x64xf32, #tpu.memory_space<vmem>>, vector<1x16xf32>,
        %get3A_267 = vector.shape_cast %get3A_266 : vector<1x16xf32> to vector<16xf32>
        %add3A_268 = arith.addf %add3A_240, %get3A_267 : vector<16xf32>
        %add3A_269 = arith.constant 6 : i32
        %add3A_270 = arith.addi %mul3A_106, %add3A_269 : i32
        %get3A_271 = arith.index_cast %add3A_270 : i32 to index
        %get3A_272 = arith.constant 16 : index
        %get3A_273 = tpu.vector_load %arg10[%get3A_271, %get3A_272] {strides = array<i32>} : memref<640x64xf32, #tpu.memory_space<vmem>>, vector<1x16xf32>,
        %get3A_274 = vector.shape_cast %get3A_273 : vector<1x16xf32> to vector<16xf32>
        %add3A_275 = arith.addf %add3A_247, %get3A_274 : vector<16xf32>
        %add3A_276 = arith.constant 6 : i32
        %add3A_277 = arith.addi %mul3A_106, %add3A_276 : i32
        %get3A_278 = arith.index_cast %add3A_277 : i32 to index
        %get3A_279 = arith.constant 32 : index
        %get3A_280 = tpu.vector_load %arg10[%get3A_278, %get3A_279] {strides = array<i32>} : memref<640x64xf32, #tpu.memory_space<vmem>>, vector<1x16xf32>,
        %get3A_281 = vector.shape_cast %get3A_280 : vector<1x16xf32> to vector<16xf32>
        %add3A_282 = arith.addf %add3A_254, %get3A_281 : vector<16xf32>
        %add3A_283 = arith.constant 6 : i32
        %add3A_284 = arith.addi %mul3A_106, %add3A_283 : i32
        %get3A_285 = arith.index_cast %add3A_284 : i32 to index
        %get3A_286 = arith.constant 48 : index
        %get3A_287 = tpu.vector_load %arg10[%get3A_285, %get3A_286] {strides = array<i32>} : memref<640x64xf32, #tpu.memory_space<vmem>>, vector<1x16xf32>,
        %get3A_288 = vector.shape_cast %get3A_287 : vector<1x16xf32> to vector<16xf32>
        %add3A_289 = arith.addf %add3A_261, %get3A_288 : vector<16xf32>
        %add3A_290 = arith.constant 7 : i32
        %add3A_291 = arith.addi %mul3A_106, %add3A_290 : i32
        %get3A_292 = arith.index_cast %add3A_291 : i32 to index
        %get3A_293 = arith.constant 0 : index
        %get3A_294 = tpu.vector_load %arg10[%get3A_292, %get3A_293] {strides = array<i32>} : memref<640x64xf32, #tpu.memory_space<vmem>>, vector<1x16xf32>,
        %get3A_295 = vector.shape_cast %get3A_294 : vector<1x16xf32> to vector<16xf32>
        %add3A_296 = arith.addf %add3A_268, %get3A_295 : vector<16xf32>
        %add3A_297 = arith.constant 7 : i32
        %add3A_298 = arith.addi %mul3A_106, %add3A_297 : i32
        %get3A_299 = arith.index_cast %add3A_298 : i32 to index
        %get3A_300 = arith.constant 16 : index
        %get3A_301 = tpu.vector_load %arg10[%get3A_299, %get3A_300] {strides = array<i32>} : memref<640x64xf32, #tpu.memory_space<vmem>>, vector<1x16xf32>,
        %get3A_302 = vector.shape_cast %get3A_301 : vector<1x16xf32> to vector<16xf32>
        %add3A_303 = arith.addf %add3A_275, %get3A_302 : vector<16xf32>
        %add3A_304 = arith.constant 7 : i32
        %add3A_305 = arith.addi %mul3A_106, %add3A_304 : i32
        %get3A_306 = arith.index_cast %add3A_305 : i32 to index
        %get3A_307 = arith.constant 32 : index
        %get3A_308 = tpu.vector_load %arg10[%get3A_306, %get3A_307] {strides = array<i32>} : memref<640x64xf32, #tpu.memory_space<vmem>>, vector<1x16xf32>,
        %get3A_309 = vector.shape_cast %get3A_308 : vector<1x16xf32> to vector<16xf32>
        %add3A_310 = arith.addf %add3A_282, %get3A_309 : vector<16xf32>
        %add3A_311 = arith.constant 7 : i32
        %add3A_312 = arith.addi %mul3A_106, %add3A_311 : i32
        %get3A_313 = arith.index_cast %add3A_312 : i32 to index
        %get3A_314 = arith.constant 48 : index
        %get3A_315 = tpu.vector_load %arg10[%get3A_313, %get3A_314] {strides = array<i32>} : memref<640x64xf32, #tpu.memory_space<vmem>>, vector<1x16xf32>,
        %get3A_316 = vector.shape_cast %get3A_315 : vector<1x16xf32> to vector<16xf32>
        %add3A_317 = arith.addf %add3A_289, %get3A_316 : vector<16xf32>
        %add3A_318 = arith.constant 8 : i32
        %add3A_319 = arith.addi %mul3A_106, %add3A_318 : i32
        %get3A_320 = arith.index_cast %add3A_319 : i32 to index
        %get3A_321 = arith.constant 0 : index
        %get3A_322 = tpu.vector_load %arg10[%get3A_320, %get3A_321] {strides = array<i32>} : memref<640x64xf32, #tpu.memory_space<vmem>>, vector<1x16xf32>,
        %get3A_323 = vector.shape_cast %get3A_322 : vector<1x16xf32> to vector<16xf32>
        %add3A_324 = arith.addf %add3A_296, %get3A_323 : vector<16xf32>
        %add3A_325 = arith.constant 8 : i32
        %add3A_326 = arith.addi %mul3A_106, %add3A_325 : i32
        %get3A_327 = arith.index_cast %add3A_326 : i32 to index
        %get3A_328 = arith.constant 16 : index
        %get3A_329 = tpu.vector_load %arg10[%get3A_327, %get3A_328] {strides = array<i32>} : memref<640x64xf32, #tpu.memory_space<vmem>>, vector<1x16xf32>,
        %get3A_330 = vector.shape_cast %get3A_329 : vector<1x16xf32> to vector<16xf32>
        %add3A_331 = arith.addf %add3A_303, %get3A_330 : vector<16xf32>
        %add3A_332 = arith.constant 8 : i32
        %add3A_333 = arith.addi %mul3A_106, %add3A_332 : i32
        %get3A_334 = arith.index_cast %add3A_333 : i32 to index
        %get3A_335 = arith.constant 32 : index
        %get3A_336 = tpu.vector_load %arg10[%get3A_334, %get3A_335] {strides = array<i32>} : memref<640x64xf32, #tpu.memory_space<vmem>>, vector<1x16xf32>,
        %get3A_337 = vector.shape_cast %get3A_336 : vector<1x16xf32> to vector<16xf32>
        %add3A_338 = arith.addf %add3A_310, %get3A_337 : vector<16xf32>
        %add3A_339 = arith.constant 8 : i32
        %add3A_340 = arith.addi %mul3A_106, %add3A_339 : i32
        %get3A_341 = arith.index_cast %add3A_340 : i32 to index
        %get3A_342 = arith.constant 48 : index
        %get3A_343 = tpu.vector_load %arg10[%get3A_341, %get3A_342] {strides = array<i32>} : memref<640x64xf32, #tpu.memory_space<vmem>>, vector<1x16xf32>,
        %get3A_344 = vector.shape_cast %get3A_343 : vector<1x16xf32> to vector<16xf32>
        %add3A_345 = arith.addf %add3A_317, %get3A_344 : vector<16xf32>
        %add3A_346 = arith.constant 9 : i32
        %add3A_347 = arith.addi %mul3A_106, %add3A_346 : i32
        %get3A_348 = arith.index_cast %add3A_347 : i32 to index
        %get3A_349 = arith.constant 0 : index
        %get3A_350 = tpu.vector_load %arg10[%get3A_348, %get3A_349] {strides = array<i32>} : memref<640x64xf32, #tpu.memory_space<vmem>>, vector<1x16xf32>,
        %get3A_351 = vector.shape_cast %get3A_350 : vector<1x16xf32> to vector<16xf32>
        %add3A_352 = arith.addf %add3A_324, %get3A_351 : vector<16xf32>
        %add3A_353 = arith.constant 9 : i32
        %add3A_354 = arith.addi %mul3A_106, %add3A_353 : i32
        %get3A_355 = arith.index_cast %add3A_354 : i32 to index
        %get3A_356 = arith.constant 16 : index
        %get3A_357 = tpu.vector_load %arg10[%get3A_355, %get3A_356] {strides = array<i32>} : memref<640x64xf32, #tpu.memory_space<vmem>>, vector<1x16xf32>,
        %get3A_358 = vector.shape_cast %get3A_357 : vector<1x16xf32> to vector<16xf32>
        %add3A_359 = arith.addf %add3A_331, %get3A_358 : vector<16xf32>
        %add3A_360 = arith.constant 9 : i32
        %add3A_361 = arith.addi %mul3A_106, %add3A_360 : i32
        %get3A_362 = arith.index_cast %add3A_361 : i32 to index
        %get3A_363 = arith.constant 32 : index
        %get3A_364 = tpu.vector_load %arg10[%get3A_362, %get3A_363] {strides = array<i32>} : memref<640x64xf32, #tpu.memory_space<vmem>>, vector<1x16xf32>,
        %get3A_365 = vector.shape_cast %get3A_364 : vector<1x16xf32> to vector<16xf32>
        %add3A_366 = arith.addf %add3A_338, %get3A_365 : vector<16xf32>
        %add3A_367 = arith.constant 9 : i32
        %add3A_368 = arith.addi %mul3A_106, %add3A_367 : i32
        %get3A_369 = arith.index_cast %add3A_368 : i32 to index
        %get3A_370 = arith.constant 48 : index
        %get3A_371 = tpu.vector_load %arg10[%get3A_369, %get3A_370] {strides = array<i32>} : memref<640x64xf32, #tpu.memory_space<vmem>>, vector<1x16xf32>,
        %get3A_372 = vector.shape_cast %get3A_371 : vector<1x16xf32> to vector<16xf32>
        %add3A_373 = arith.addf %add3A_345, %get3A_372 : vector<16xf32>
        %add3A_374 = arith.constant 10 : i32
        %add3A_375 = arith.addi %mul3A_106, %add3A_374 : i32
        %get3A_376 = arith.index_cast %add3A_375 : i32 to index
        %get3A_377 = arith.constant 0 : index
        %get3A_378 = tpu.vector_load %arg10[%get3A_376, %get3A_377] {strides = array<i32>} : memref<640x64xf32, #tpu.memory_space<vmem>>, vector<1x16xf32>,
        %get3A_379 = vector.shape_cast %get3A_378 : vector<1x16xf32> to vector<16xf32>
        %add3A_380 = arith.addf %add3A_352, %get3A_379 : vector<16xf32>
        %add3A_381 = arith.constant 10 : i32
        %add3A_382 = arith.addi %mul3A_106, %add3A_381 : i32
        %get3A_383 = arith.index_cast %add3A_382 : i32 to index
        %get3A_384 = arith.constant 16 : index
        %get3A_385 = tpu.vector_load %arg10[%get3A_383, %get3A_384] {strides = array<i32>} : memref<640x64xf32, #tpu.memory_space<vmem>>, vector<1x16xf32>,
        %get3A_386 = vector.shape_cast %get3A_385 : vector<1x16xf32> to vector<16xf32>
        %add3A_387 = arith.addf %add3A_359, %get3A_386 : vector<16xf32>
        %add3A_388 = arith.constant 10 : i32
        %add3A_389 = arith.addi %mul3A_106, %add3A_388 : i32
        %get3A_390 = arith.index_cast %add3A_389 : i32 to index
        %get3A_391 = arith.constant 32 : index
        %get3A_392 = tpu.vector_load %arg10[%get3A_390, %get3A_391] {strides = array<i32>} : memref<640x64xf32, #tpu.memory_space<vmem>>, vector<1x16xf32>,
        %get3A_393 = vector.shape_cast %get3A_392 : vector<1x16xf32> to vector<16xf32>
        %add3A_394 = arith.addf %add3A_366, %get3A_393 : vector<16xf32>
        %add3A_395 = arith.constant 10 : i32
        %add3A_396 = arith.addi %mul3A_106, %add3A_395 : i32
        %get3A_397 = arith.index_cast %add3A_396 : i32 to index
        %get3A_398 = arith.constant 48 : index
        %get3A_399 = tpu.vector_load %arg10[%get3A_397, %get3A_398] {strides = array<i32>} : memref<640x64xf32, #tpu.memory_space<vmem>>, vector<1x16xf32>,
        %get3A_400 = vector.shape_cast %get3A_399 : vector<1x16xf32> to vector<16xf32>
        %add3A_401 = arith.addf %add3A_373, %get3A_400 : vector<16xf32>
        %add3A_402 = arith.constant 11 : i32
        %add3A_403 = arith.addi %mul3A_106, %add3A_402 : i32
        %get3A_404 = arith.index_cast %add3A_403 : i32 to index
        %get3A_405 = arith.constant 0 : index
        %get3A_406 = tpu.vector_load %arg10[%get3A_404, %get3A_405] {strides = array<i32>} : memref<640x64xf32, #tpu.memory_space<vmem>>, vector<1x16xf32>,
        %get3A_407 = vector.shape_cast %get3A_406 : vector<1x16xf32> to vector<16xf32>
        %add3A_408 = arith.addf %add3A_380, %get3A_407 : vector<16xf32>
        %add3A_409 = arith.constant 11 : i32
        %add3A_410 = arith.addi %mul3A_106, %add3A_409 : i32
        %get3A_411 = arith.index_cast %add3A_410 : i32 to index
        %get3A_412 = arith.constant 16 : index
        %get3A_413 = tpu.vector_load %arg10[%get3A_411, %get3A_412] {strides = array<i32>} : memref<640x64xf32, #tpu.memory_space<vmem>>, vector<1x16xf32>,
        %get3A_414 = vector.shape_cast %get3A_413 : vector<1x16xf32> to vector<16xf32>
        %add3A_415 = arith.addf %add3A_387, %get3A_414 : vector<16xf32>
        %add3A_416 = arith.constant 11 : i32
        %add3A_417 = arith.addi %mul3A_106, %add3A_416 : i32
        %get3A_418 = arith.index_cast %add3A_417 : i32 to index
        %get3A_419 = arith.constant 32 : index
        %get3A_420 = tpu.vector_load %arg10[%get3A_418, %get3A_419] {strides = array<i32>} : memref<640x64xf32, #tpu.memory_space<vmem>>, vector<1x16xf32>,
        %get3A_421 = vector.shape_cast %get3A_420 : vector<1x16xf32> to vector<16xf32>
        %add3A_422 = arith.addf %add3A_394, %get3A_421 : vector<16xf32>
        %add3A_423 = arith.constant 11 : i32
        %add3A_424 = arith.addi %mul3A_106, %add3A_423 : i32
        %get3A_425 = arith.index_cast %add3A_424 : i32 to index
        %get3A_426 = arith.constant 48 : index
        %get3A_427 = tpu.vector_load %arg10[%get3A_425, %get3A_426] {strides = array<i32>} : memref<640x64xf32, #tpu.memory_space<vmem>>, vector<1x16xf32>,
        %get3A_428 = vector.shape_cast %get3A_427 : vector<1x16xf32> to vector<16xf32>
        %add3A_429 = arith.addf %add3A_401, %get3A_428 : vector<16xf32>
        %add3A_430 = arith.constant 12 : i32
        %add3A_431 = arith.addi %mul3A_106, %add3A_430 : i32
        %get3A_432 = arith.index_cast %add3A_431 : i32 to index
        %get3A_433 = arith.constant 0 : index
        %get3A_434 = tpu.vector_load %arg10[%get3A_432, %get3A_433] {strides = array<i32>} : memref<640x64xf32, #tpu.memory_space<vmem>>, vector<1x16xf32>,
        %get3A_435 = vector.shape_cast %get3A_434 : vector<1x16xf32> to vector<16xf32>
        %add3A_436 = arith.addf %add3A_408, %get3A_435 : vector<16xf32>
        %add3A_437 = arith.constant 12 : i32
        %add3A_438 = arith.addi %mul3A_106, %add3A_437 : i32
        %get3A_439 = arith.index_cast %add3A_438 : i32 to index
        %get3A_440 = arith.constant 16 : index
        %get3A_441 = tpu.vector_load %arg10[%get3A_439, %get3A_440] {strides = array<i32>} : memref<640x64xf32, #tpu.memory_space<vmem>>, vector<1x16xf32>,
        %get3A_442 = vector.shape_cast %get3A_441 : vector<1x16xf32> to vector<16xf32>
        %add3A_443 = arith.addf %add3A_415, %get3A_442 : vector<16xf32>
        %add3A_444 = arith.constant 12 : i32
        %add3A_445 = arith.addi %mul3A_106, %add3A_444 : i32
        %get3A_446 = arith.index_cast %add3A_445 : i32 to index
        %get3A_447 = arith.constant 32 : index
        %get3A_448 = tpu.vector_load %arg10[%get3A_446, %get3A_447] {strides = array<i32>} : memref<640x64xf32, #tpu.memory_space<vmem>>, vector<1x16xf32>,
        %get3A_449 = vector.shape_cast %get3A_448 : vector<1x16xf32> to vector<16xf32>
        %add3A_450 = arith.addf %add3A_422, %get3A_449 : vector<16xf32>
        %add3A_451 = arith.constant 12 : i32
        %add3A_452 = arith.addi %mul3A_106, %add3A_451 : i32
        %get3A_453 = arith.index_cast %add3A_452 : i32 to index
        %get3A_454 = arith.constant 48 : index
        %get3A_455 = tpu.vector_load %arg10[%get3A_453, %get3A_454] {strides = array<i32>} : memref<640x64xf32, #tpu.memory_space<vmem>>, vector<1x16xf32>,
        %get3A_456 = vector.shape_cast %get3A_455 : vector<1x16xf32> to vector<16xf32>
        %add3A_457 = arith.addf %add3A_429, %get3A_456 : vector<16xf32>
        %add3A_458 = arith.constant 13 : i32
        %add3A_459 = arith.addi %mul3A_106, %add3A_458 : i32
        %get3A_460 = arith.index_cast %add3A_459 : i32 to index
        %get3A_461 = arith.constant 0 : index
        %get3A_462 = tpu.vector_load %arg10[%get3A_460, %get3A_461] {strides = array<i32>} : memref<640x64xf32, #tpu.memory_space<vmem>>, vector<1x16xf32>,
        %get3A_463 = vector.shape_cast %get3A_462 : vector<1x16xf32> to vector<16xf32>
        %add3A_464 = arith.addf %add3A_436, %get3A_463 : vector<16xf32>
        %add3A_465 = arith.constant 13 : i32
        %add3A_466 = arith.addi %mul3A_106, %add3A_465 : i32
        %get3A_467 = arith.index_cast %add3A_466 : i32 to index
        %get3A_468 = arith.constant 16 : index
        %get3A_469 = tpu.vector_load %arg10[%get3A_467, %get3A_468] {strides = array<i32>} : memref<640x64xf32, #tpu.memory_space<vmem>>, vector<1x16xf32>,
        %get3A_470 = vector.shape_cast %get3A_469 : vector<1x16xf32> to vector<16xf32>
        %add3A_471 = arith.addf %add3A_443, %get3A_470 : vector<16xf32>
        %add3A_472 = arith.constant 13 : i32
        %add3A_473 = arith.addi %mul3A_106, %add3A_472 : i32
        %get3A_474 = arith.index_cast %add3A_473 : i32 to index
        %get3A_475 = arith.constant 32 : index
        %get3A_476 = tpu.vector_load %arg10[%get3A_474, %get3A_475] {strides = array<i32>} : memref<640x64xf32, #tpu.memory_space<vmem>>, vector<1x16xf32>,
        %get3A_477 = vector.shape_cast %get3A_476 : vector<1x16xf32> to vector<16xf32>
        %add3A_478 = arith.addf %add3A_450, %get3A_477 : vector<16xf32>
        %add3A_479 = arith.constant 13 : i32
        %add3A_480 = arith.addi %mul3A_106, %add3A_479 : i32
        %get3A_481 = arith.index_cast %add3A_480 : i32 to index
        %get3A_482 = arith.constant 48 : index
        %get3A_483 = tpu.vector_load %arg10[%get3A_481, %get3A_482] {strides = array<i32>} : memref<640x64xf32, #tpu.memory_space<vmem>>, vector<1x16xf32>,
        %get3A_484 = vector.shape_cast %get3A_483 : vector<1x16xf32> to vector<16xf32>
        %add3A_485 = arith.addf %add3A_457, %get3A_484 : vector<16xf32>
        %add3A_486 = arith.constant 14 : i32
        %add3A_487 = arith.addi %mul3A_106, %add3A_486 : i32
        %get3A_488 = arith.index_cast %add3A_487 : i32 to index
        %get3A_489 = arith.constant 0 : index
        %get3A_490 = tpu.vector_load %arg10[%get3A_488, %get3A_489] {strides = array<i32>} : memref<640x64xf32, #tpu.memory_space<vmem>>, vector<1x16xf32>,
        %get3A_491 = vector.shape_cast %get3A_490 : vector<1x16xf32> to vector<16xf32>
        %add3A_492 = arith.addf %add3A_464, %get3A_491 : vector<16xf32>
        %add3A_493 = arith.constant 14 : i32
        %add3A_494 = arith.addi %mul3A_106, %add3A_493 : i32
        %get3A_495 = arith.index_cast %add3A_494 : i32 to index
        %get3A_496 = arith.constant 16 : index
        %get3A_497 = tpu.vector_load %arg10[%get3A_495, %get3A_496] {strides = array<i32>} : memref<640x64xf32, #tpu.memory_space<vmem>>, vector<1x16xf32>,
        %get3A_498 = vector.shape_cast %get3A_497 : vector<1x16xf32> to vector<16xf32>
        %add3A_499 = arith.addf %add3A_471, %get3A_498 : vector<16xf32>
        %add3A_500 = arith.constant 14 : i32
        %add3A_501 = arith.addi %mul3A_106, %add3A_500 : i32
        %get3A_502 = arith.index_cast %add3A_501 : i32 to index
        %get3A_503 = arith.constant 32 : index
        %get3A_504 = tpu.vector_load %arg10[%get3A_502, %get3A_503] {strides = array<i32>} : memref<640x64xf32, #tpu.memory_space<vmem>>, vector<1x16xf32>,
        %get3A_505 = vector.shape_cast %get3A_504 : vector<1x16xf32> to vector<16xf32>
        %add3A_506 = arith.addf %add3A_478, %get3A_505 : vector<16xf32>
        %add3A_507 = arith.constant 14 : i32
        %add3A_508 = arith.addi %mul3A_106, %add3A_507 : i32
        %get3A_509 = arith.index_cast %add3A_508 : i32 to index
        %get3A_510 = arith.constant 48 : index
        %get3A_511 = tpu.vector_load %arg10[%get3A_509, %get3A_510] {strides = array<i32>} : memref<640x64xf32, #tpu.memory_space<vmem>>, vector<1x16xf32>,
        %get3A_512 = vector.shape_cast %get3A_511 : vector<1x16xf32> to vector<16xf32>
        %add3A_513 = arith.addf %add3A_485, %get3A_512 : vector<16xf32>
        %add3A_514 = arith.constant 15 : i32
        %add3A_515 = arith.addi %mul3A_106, %add3A_514 : i32
        %get3A_516 = arith.index_cast %add3A_515 : i32 to index
        %get3A_517 = arith.constant 0 : index
        %get3A_518 = tpu.vector_load %arg10[%get3A_516, %get3A_517] {strides = array<i32>} : memref<640x64xf32, #tpu.memory_space<vmem>>, vector<1x16xf32>,
        %get3A_519 = vector.shape_cast %get3A_518 : vector<1x16xf32> to vector<16xf32>
        %add3A_520 = arith.addf %add3A_492, %get3A_519 : vector<16xf32>
        %add3A_521 = arith.constant 15 : i32
        %add3A_522 = arith.addi %mul3A_106, %add3A_521 : i32
        %get3A_523 = arith.index_cast %add3A_522 : i32 to index
        %get3A_524 = arith.constant 16 : index
        %get3A_525 = tpu.vector_load %arg10[%get3A_523, %get3A_524] {strides = array<i32>} : memref<640x64xf32, #tpu.memory_space<vmem>>, vector<1x16xf32>,
        %get3A_526 = vector.shape_cast %get3A_525 : vector<1x16xf32> to vector<16xf32>
        %add3A_527 = arith.addf %add3A_499, %get3A_526 : vector<16xf32>
        %add3A_528 = arith.constant 15 : i32
        %add3A_529 = arith.addi %mul3A_106, %add3A_528 : i32
        %get3A_530 = arith.index_cast %add3A_529 : i32 to index
        %get3A_531 = arith.constant 32 : index
        %get3A_532 = tpu.vector_load %arg10[%get3A_530, %get3A_531] {strides = array<i32>} : memref<640x64xf32, #tpu.memory_space<vmem>>, vector<1x16xf32>,
        %get3A_533 = vector.shape_cast %get3A_532 : vector<1x16xf32> to vector<16xf32>
        %add3A_534 = arith.addf %add3A_506, %get3A_533 : vector<16xf32>
        %add3A_535 = arith.constant 15 : i32
        %add3A_536 = arith.addi %mul3A_106, %add3A_535 : i32
        %get3A_537 = arith.index_cast %add3A_536 : i32 to index
        %get3A_538 = arith.constant 48 : index
        %get3A_539 = tpu.vector_load %arg10[%get3A_537, %get3A_538] {strides = array<i32>} : memref<640x64xf32, #tpu.memory_space<vmem>>, vector<1x16xf32>,
        %get3A_540 = vector.shape_cast %get3A_539 : vector<1x16xf32> to vector<16xf32>
        %add3A_541 = arith.addf %add3A_513, %get3A_540 : vector<16xf32>
        %add3A_542 = arith.constant 16 : i32
        %add3A_543 = arith.addi %mul3A_106, %add3A_542 : i32
        %get3A_544 = arith.index_cast %add3A_543 : i32 to index
        %get3A_545 = arith.constant 0 : index
        %get3A_546 = tpu.vector_load %arg10[%get3A_544, %get3A_545] {strides = array<i32>} : memref<640x64xf32, #tpu.memory_space<vmem>>, vector<1x16xf32>,
        %get3A_547 = vector.shape_cast %get3A_546 : vector<1x16xf32> to vector<16xf32>
        %add3A_548 = arith.addf %add3A_520, %get3A_547 : vector<16xf32>
        %add3A_549 = arith.constant 16 : i32
        %add3A_550 = arith.addi %mul3A_106, %add3A_549 : i32
        %get3A_551 = arith.index_cast %add3A_550 : i32 to index
        %get3A_552 = arith.constant 16 : index
        %get3A_553 = tpu.vector_load %arg10[%get3A_551, %get3A_552] {strides = array<i32>} : memref<640x64xf32, #tpu.memory_space<vmem>>, vector<1x16xf32>,
        %get3A_554 = vector.shape_cast %get3A_553 : vector<1x16xf32> to vector<16xf32>
        %add3A_555 = arith.addf %add3A_527, %get3A_554 : vector<16xf32>
        %add3A_556 = arith.constant 16 : i32
        %add3A_557 = arith.addi %mul3A_106, %add3A_556 : i32
        %get3A_558 = arith.index_cast %add3A_557 : i32 to index
        %get3A_559 = arith.constant 32 : index
        %get3A_560 = tpu.vector_load %arg10[%get3A_558, %get3A_559] {strides = array<i32>} : memref<640x64xf32, #tpu.memory_space<vmem>>, vector<1x16xf32>,
        %get3A_561 = vector.shape_cast %get3A_560 : vector<1x16xf32> to vector<16xf32>
        %add3A_562 = arith.addf %add3A_534, %get3A_561 : vector<16xf32>
        %add3A_563 = arith.constant 16 : i32
        %add3A_564 = arith.addi %mul3A_106, %add3A_563 : i32
        %get3A_565 = arith.index_cast %add3A_564 : i32 to index
        %get3A_566 = arith.constant 48 : index
        %get3A_567 = tpu.vector_load %arg10[%get3A_565, %get3A_566] {strides = array<i32>} : memref<640x64xf32, #tpu.memory_space<vmem>>, vector<1x16xf32>,
        %get3A_568 = vector.shape_cast %get3A_567 : vector<1x16xf32> to vector<16xf32>
        %add3A_569 = arith.addf %add3A_541, %get3A_568 : vector<16xf32>
        %add3A_570 = arith.constant 17 : i32
        %add3A_571 = arith.addi %mul3A_106, %add3A_570 : i32
        %get3A_572 = arith.index_cast %add3A_571 : i32 to index
        %get3A_573 = arith.constant 0 : index
        %get3A_574 = tpu.vector_load %arg10[%get3A_572, %get3A_573] {strides = array<i32>} : memref<640x64xf32, #tpu.memory_space<vmem>>, vector<1x16xf32>,
        %get3A_575 = vector.shape_cast %get3A_574 : vector<1x16xf32> to vector<16xf32>
        %add3A_576 = arith.addf %add3A_548, %get3A_575 : vector<16xf32>
        %add3A_577 = arith.constant 17 : i32
        %add3A_578 = arith.addi %mul3A_106, %add3A_577 : i32
        %get3A_579 = arith.index_cast %add3A_578 : i32 to index
        %get3A_580 = arith.constant 16 : index
        %get3A_581 = tpu.vector_load %arg10[%get3A_579, %get3A_580] {strides = array<i32>} : memref<640x64xf32, #tpu.memory_space<vmem>>, vector<1x16xf32>,
        %get3A_582 = vector.shape_cast %get3A_581 : vector<1x16xf32> to vector<16xf32>
        %add3A_583 = arith.addf %add3A_555, %get3A_582 : vector<16xf32>
        %add3A_584 = arith.constant 17 : i32
        %add3A_585 = arith.addi %mul3A_106, %add3A_584 : i32
        %get3A_586 = arith.index_cast %add3A_585 : i32 to index
        %get3A_587 = arith.constant 32 : index
        %get3A_588 = tpu.vector_load %arg10[%get3A_586, %get3A_587] {strides = array<i32>} : memref<640x64xf32, #tpu.memory_space<vmem>>, vector<1x16xf32>,
        %get3A_589 = vector.shape_cast %get3A_588 : vector<1x16xf32> to vector<16xf32>
        %add3A_590 = arith.addf %add3A_562, %get3A_589 : vector<16xf32>
        %add3A_591 = arith.constant 17 : i32
        %add3A_592 = arith.addi %mul3A_106, %add3A_591 : i32
        %get3A_593 = arith.index_cast %add3A_592 : i32 to index
        %get3A_594 = arith.constant 48 : index
        %get3A_595 = tpu.vector_load %arg10[%get3A_593, %get3A_594] {strides = array<i32>} : memref<640x64xf32, #tpu.memory_space<vmem>>, vector<1x16xf32>,
        %get3A_596 = vector.shape_cast %get3A_595 : vector<1x16xf32> to vector<16xf32>
        %add3A_597 = arith.addf %add3A_569, %get3A_596 : vector<16xf32>
        %add3A_598 = arith.constant 18 : i32
        %add3A_599 = arith.addi %mul3A_106, %add3A_598 : i32
        %get3A_600 = arith.index_cast %add3A_599 : i32 to index
        %get3A_601 = arith.constant 0 : index
        %get3A_602 = tpu.vector_load %arg10[%get3A_600, %get3A_601] {strides = array<i32>} : memref<640x64xf32, #tpu.memory_space<vmem>>, vector<1x16xf32>,
        %get3A_603 = vector.shape_cast %get3A_602 : vector<1x16xf32> to vector<16xf32>
        %add3A_604 = arith.addf %add3A_576, %get3A_603 : vector<16xf32>
        %add3A_605 = arith.constant 18 : i32
        %add3A_606 = arith.addi %mul3A_106, %add3A_605 : i32
        %get3A_607 = arith.index_cast %add3A_606 : i32 to index
        %get3A_608 = arith.constant 16 : index
        %get3A_609 = tpu.vector_load %arg10[%get3A_607, %get3A_608] {strides = array<i32>} : memref<640x64xf32, #tpu.memory_space<vmem>>, vector<1x16xf32>,
        %get3A_610 = vector.shape_cast %get3A_609 : vector<1x16xf32> to vector<16xf32>
        %add3A_611 = arith.addf %add3A_583, %get3A_610 : vector<16xf32>
        %add3A_612 = arith.constant 18 : i32
        %add3A_613 = arith.addi %mul3A_106, %add3A_612 : i32
        %get3A_614 = arith.index_cast %add3A_613 : i32 to index
        %get3A_615 = arith.constant 32 : index
        %get3A_616 = tpu.vector_load %arg10[%get3A_614, %get3A_615] {strides = array<i32>} : memref<640x64xf32, #tpu.memory_space<vmem>>, vector<1x16xf32>,
        %get3A_617 = vector.shape_cast %get3A_616 : vector<1x16xf32> to vector<16xf32>
        %add3A_618 = arith.addf %add3A_590, %get3A_617 : vector<16xf32>
        %add3A_619 = arith.constant 18 : i32
        %add3A_620 = arith.addi %mul3A_106, %add3A_619 : i32
        %get3A_621 = arith.index_cast %add3A_620 : i32 to index
        %get3A_622 = arith.constant 48 : index
        %get3A_623 = tpu.vector_load %arg10[%get3A_621, %get3A_622] {strides = array<i32>} : memref<640x64xf32, #tpu.memory_space<vmem>>, vector<1x16xf32>,
        %get3A_624 = vector.shape_cast %get3A_623 : vector<1x16xf32> to vector<16xf32>
        %add3A_625 = arith.addf %add3A_597, %get3A_624 : vector<16xf32>
        %add3A_626 = arith.constant 19 : i32
        %add3A_627 = arith.addi %mul3A_106, %add3A_626 : i32
        %get3A_628 = arith.index_cast %add3A_627 : i32 to index
        %get3A_629 = arith.constant 0 : index
        %get3A_630 = tpu.vector_load %arg10[%get3A_628, %get3A_629] {strides = array<i32>} : memref<640x64xf32, #tpu.memory_space<vmem>>, vector<1x16xf32>,
        %get3A_631 = vector.shape_cast %get3A_630 : vector<1x16xf32> to vector<16xf32>
        %add3A_632 = arith.addf %add3A_604, %get3A_631 : vector<16xf32>
        %add3A_633 = arith.constant 19 : i32
        %add3A_634 = arith.addi %mul3A_106, %add3A_633 : i32
        %get3A_635 = arith.index_cast %add3A_634 : i32 to index
        %get3A_636 = arith.constant 16 : index
        %get3A_637 = tpu.vector_load %arg10[%get3A_635, %get3A_636] {strides = array<i32>} : memref<640x64xf32, #tpu.memory_space<vmem>>, vector<1x16xf32>,
        %get3A_638 = vector.shape_cast %get3A_637 : vector<1x16xf32> to vector<16xf32>
        %add3A_639 = arith.addf %add3A_611, %get3A_638 : vector<16xf32>
        %add3A_640 = arith.constant 19 : i32
        %add3A_641 = arith.addi %mul3A_106, %add3A_640 : i32
        %get3A_642 = arith.index_cast %add3A_641 : i32 to index
        %get3A_643 = arith.constant 32 : index
        %get3A_644 = tpu.vector_load %arg10[%get3A_642, %get3A_643] {strides = array<i32>} : memref<640x64xf32, #tpu.memory_space<vmem>>, vector<1x16xf32>,
        %get3A_645 = vector.shape_cast %get3A_644 : vector<1x16xf32> to vector<16xf32>
        %add3A_646 = arith.addf %add3A_618, %get3A_645 : vector<16xf32>
        %add3A_647 = arith.constant 19 : i32
        %add3A_648 = arith.addi %mul3A_106, %add3A_647 : i32
        %get3A_649 = arith.index_cast %add3A_648 : i32 to index
        %get3A_650 = arith.constant 48 : index
        %get3A_651 = tpu.vector_load %arg10[%get3A_649, %get3A_650] {strides = array<i32>} : memref<640x64xf32, #tpu.memory_space<vmem>>, vector<1x16xf32>,
        %get3A_652 = vector.shape_cast %get3A_651 : vector<1x16xf32> to vector<16xf32>
        %add3A_653 = arith.addf %add3A_625, %get3A_652 : vector<16xf32>
        %add3A_654 = arith.constant 20 : i32
        %add3A_655 = arith.addi %mul3A_106, %add3A_654 : i32
        %get3A_656 = arith.index_cast %add3A_655 : i32 to index
        %get3A_657 = arith.constant 0 : index
        %get3A_658 = tpu.vector_load %arg10[%get3A_656, %get3A_657] {strides = array<i32>} : memref<640x64xf32, #tpu.memory_space<vmem>>, vector<1x16xf32>,
        %get3A_659 = vector.shape_cast %get3A_658 : vector<1x16xf32> to vector<16xf32>
        %add3A_660 = arith.constant 20 : i32
        %add3A_661 = arith.addi %mul3A_106, %add3A_660 : i32
        %get3A_662 = arith.index_cast %add3A_661 : i32 to index
        %get3A_663 = arith.constant 16 : index
        %get3A_664 = tpu.vector_load %arg10[%get3A_662, %get3A_663] {strides = array<i32>} : memref<640x64xf32, #tpu.memory_space<vmem>>, vector<1x16xf32>,
        %get3A_665 = vector.shape_cast %get3A_664 : vector<1x16xf32> to vector<16xf32>
        %add3A_666 = arith.constant 20 : i32
        %add3A_667 = arith.addi %mul3A_106, %add3A_666 : i32
        %get3A_668 = arith.index_cast %add3A_667 : i32 to index
        %get3A_669 = arith.constant 32 : index
        %get3A_670 = tpu.vector_load %arg10[%get3A_668, %get3A_669] {strides = array<i32>} : memref<640x64xf32, #tpu.memory_space<vmem>>, vector<1x16xf32>,
        %get3A_671 = vector.shape_cast %get3A_670 : vector<1x16xf32> to vector<16xf32>
        %add3A_672 = arith.constant 20 : i32
        %add3A_673 = arith.addi %mul3A_106, %add3A_672 : i32
        %get3A_674 = arith.index_cast %add3A_673 : i32 to index
        %get3A_675 = arith.constant 48 : index
        %get3A_676 = tpu.vector_load %arg10[%get3A_674, %get3A_675] {strides = array<i32>} : memref<640x64xf32, #tpu.memory_space<vmem>>, vector<1x16xf32>,
        %get3A_677 = vector.shape_cast %get3A_676 : vector<1x16xf32> to vector<16xf32>
        %add3A_678 = arith.constant 21 : i32
        %add3A_679 = arith.addi %mul3A_106, %add3A_678 : i32
        %get3A_680 = arith.index_cast %add3A_679 : i32 to index
        %get3A_681 = arith.constant 0 : index
        %get3A_682 = tpu.vector_load %arg10[%get3A_680, %get3A_681] {strides = array<i32>} : memref<640x64xf32, #tpu.memory_space<vmem>>, vector<1x16xf32>,
        %get3A_683 = vector.shape_cast %get3A_682 : vector<1x16xf32> to vector<16xf32>
        %add3A_684 = arith.addf %get3A_659, %get3A_683 : vector<16xf32>
        %add3A_685 = arith.constant 21 : i32
        %add3A_686 = arith.addi %mul3A_106, %add3A_685 : i32
        %get3A_687 = arith.index_cast %add3A_686 : i32 to index
        %get3A_688 = arith.constant 16 : index
        %get3A_689 = tpu.vector_load %arg10[%get3A_687, %get3A_688] {strides = array<i32>} : memref<640x64xf32, #tpu.memory_space<vmem>>, vector<1x16xf32>,
        %get3A_690 = vector.shape_cast %get3A_689 : vector<1x16xf32> to vector<16xf32>
        %add3A_691 = arith.addf %get3A_665, %get3A_690 : vector<16xf32>
        %add3A_692 = arith.constant 21 : i32
        %add3A_693 = arith.addi %mul3A_106, %add3A_692 : i32
        %get3A_694 = arith.index_cast %add3A_693 : i32 to index
        %get3A_695 = arith.constant 32 : index
        %get3A_696 = tpu.vector_load %arg10[%get3A_694, %get3A_695] {strides = array<i32>} : memref<640x64xf32, #tpu.memory_space<vmem>>, vector<1x16xf32>,
        %get3A_697 = vector.shape_cast %get3A_696 : vector<1x16xf32> to vector<16xf32>
        %add3A_698 = arith.addf %get3A_671, %get3A_697 : vector<16xf32>
        %add3A_699 = arith.constant 21 : i32
        %add3A_700 = arith.addi %mul3A_106, %add3A_699 : i32
        %get3A_701 = arith.index_cast %add3A_700 : i32 to index
        %get3A_702 = arith.constant 48 : index
        %get3A_703 = tpu.vector_load %arg10[%get3A_701, %get3A_702] {strides = array<i32>} : memref<640x64xf32, #tpu.memory_space<vmem>>, vector<1x16xf32>,
        %get3A_704 = vector.shape_cast %get3A_703 : vector<1x16xf32> to vector<16xf32>
        %add3A_705 = arith.addf %get3A_677, %get3A_704 : vector<16xf32>
        %add3A_706 = arith.constant 22 : i32
        %add3A_707 = arith.addi %mul3A_106, %add3A_706 : i32
        %get3A_708 = arith.index_cast %add3A_707 : i32 to index
        %get3A_709 = arith.constant 0 : index
        %get3A_710 = tpu.vector_load %arg10[%get3A_708, %get3A_709] {strides = array<i32>} : memref<640x64xf32, #tpu.memory_space<vmem>>, vector<1x16xf32>,
        %get3A_711 = vector.shape_cast %get3A_710 : vector<1x16xf32> to vector<16xf32>
        %add3A_712 = arith.addf %add3A_684, %get3A_711 : vector<16xf32>
        %add3A_713 = arith.constant 22 : i32
        %add3A_714 = arith.addi %mul3A_106, %add3A_713 : i32
        %get3A_715 = arith.index_cast %add3A_714 : i32 to index
        %get3A_716 = arith.constant 16 : index
        %get3A_717 = tpu.vector_load %arg10[%get3A_715, %get3A_716] {strides = array<i32>} : memref<640x64xf32, #tpu.memory_space<vmem>>, vector<1x16xf32>,
        %get3A_718 = vector.shape_cast %get3A_717 : vector<1x16xf32> to vector<16xf32>
        %add3A_719 = arith.addf %add3A_691, %get3A_718 : vector<16xf32>
        %add3A_720 = arith.constant 22 : i32
        %add3A_721 = arith.addi %mul3A_106, %add3A_720 : i32
        %get3A_722 = arith.index_cast %add3A_721 : i32 to index
        %get3A_723 = arith.constant 32 : index
        %get3A_724 = tpu.vector_load %arg10[%get3A_722, %get3A_723] {strides = array<i32>} : memref<640x64xf32, #tpu.memory_space<vmem>>, vector<1x16xf32>,
        %get3A_725 = vector.shape_cast %get3A_724 : vector<1x16xf32> to vector<16xf32>
        %add3A_726 = arith.addf %add3A_698, %get3A_725 : vector<16xf32>
        %add3A_727 = arith.constant 22 : i32
        %add3A_728 = arith.addi %mul3A_106, %add3A_727 : i32
        %get3A_729 = arith.index_cast %add3A_728 : i32 to index
        %get3A_730 = arith.constant 48 : index
        %get3A_731 = tpu.vector_load %arg10[%get3A_729, %get3A_730] {strides = array<i32>} : memref<640x64xf32, #tpu.memory_space<vmem>>, vector<1x16xf32>,
        %get3A_732 = vector.shape_cast %get3A_731 : vector<1x16xf32> to vector<16xf32>
        %add3A_733 = arith.addf %add3A_705, %get3A_732 : vector<16xf32>
        %add3A_734 = arith.constant 23 : i32
        %add3A_735 = arith.addi %mul3A_106, %add3A_734 : i32
        %get3A_736 = arith.index_cast %add3A_735 : i32 to index
        %get3A_737 = arith.constant 0 : index
        %get3A_738 = tpu.vector_load %arg10[%get3A_736, %get3A_737] {strides = array<i32>} : memref<640x64xf32, #tpu.memory_space<vmem>>, vector<1x16xf32>,
        %get3A_739 = vector.shape_cast %get3A_738 : vector<1x16xf32> to vector<16xf32>
        %add3A_740 = arith.addf %add3A_712, %get3A_739 : vector<16xf32>
        %add3A_741 = arith.constant 23 : i32
        %add3A_742 = arith.addi %mul3A_106, %add3A_741 : i32
        %get3A_743 = arith.index_cast %add3A_742 : i32 to index
        %get3A_744 = arith.constant 16 : index
        %get3A_745 = tpu.vector_load %arg10[%get3A_743, %get3A_744] {strides = array<i32>} : memref<640x64xf32, #tpu.memory_space<vmem>>, vector<1x16xf32>,
        %get3A_746 = vector.shape_cast %get3A_745 : vector<1x16xf32> to vector<16xf32>
        %add3A_747 = arith.addf %add3A_719, %get3A_746 : vector<16xf32>
        %add3A_748 = arith.constant 23 : i32
        %add3A_749 = arith.addi %mul3A_106, %add3A_748 : i32
        %get3A_750 = arith.index_cast %add3A_749 : i32 to index
        %get3A_751 = arith.constant 32 : index
        %get3A_752 = tpu.vector_load %arg10[%get3A_750, %get3A_751] {strides = array<i32>} : memref<640x64xf32, #tpu.memory_space<vmem>>, vector<1x16xf32>,
        %get3A_753 = vector.shape_cast %get3A_752 : vector<1x16xf32> to vector<16xf32>
        %add3A_754 = arith.addf %add3A_726, %get3A_753 : vector<16xf32>
        %add3A_755 = arith.constant 23 : i32
        %add3A_756 = arith.addi %mul3A_106, %add3A_755 : i32
        %get3A_757 = arith.index_cast %add3A_756 : i32 to index
        %get3A_758 = arith.constant 48 : index
        %get3A_759 = tpu.vector_load %arg10[%get3A_757, %get3A_758] {strides = array<i32>} : memref<640x64xf32, #tpu.memory_space<vmem>>, vector<1x16xf32>,
        %get3A_760 = vector.shape_cast %get3A_759 : vector<1x16xf32> to vector<16xf32>
        %add3A_761 = arith.addf %add3A_733, %get3A_760 : vector<16xf32>
        %add3A_762 = arith.constant 24 : i32
        %add3A_763 = arith.addi %mul3A_106, %add3A_762 : i32
        %get3A_764 = arith.index_cast %add3A_763 : i32 to index
        %get3A_765 = arith.constant 0 : index
        %get3A_766 = tpu.vector_load %arg10[%get3A_764, %get3A_765] {strides = array<i32>} : memref<640x64xf32, #tpu.memory_space<vmem>>, vector<1x16xf32>,
        %get3A_767 = vector.shape_cast %get3A_766 : vector<1x16xf32> to vector<16xf32>
        %add3A_768 = arith.addf %add3A_740, %get3A_767 : vector<16xf32>
        %add3A_769 = arith.constant 24 : i32
        %add3A_770 = arith.addi %mul3A_106, %add3A_769 : i32
        %get3A_771 = arith.index_cast %add3A_770 : i32 to index
        %get3A_772 = arith.constant 16 : index
        %get3A_773 = tpu.vector_load %arg10[%get3A_771, %get3A_772] {strides = array<i32>} : memref<640x64xf32, #tpu.memory_space<vmem>>, vector<1x16xf32>,
        %get3A_774 = vector.shape_cast %get3A_773 : vector<1x16xf32> to vector<16xf32>
        %add3A_775 = arith.addf %add3A_747, %get3A_774 : vector<16xf32>
        %add3A_776 = arith.constant 24 : i32
        %add3A_777 = arith.addi %mul3A_106, %add3A_776 : i32
        %get3A_778 = arith.index_cast %add3A_777 : i32 to index
        %get3A_779 = arith.constant 32 : index
        %get3A_780 = tpu.vector_load %arg10[%get3A_778, %get3A_779] {strides = array<i32>} : memref<640x64xf32, #tpu.memory_space<vmem>>, vector<1x16xf32>,
        %get3A_781 = vector.shape_cast %get3A_780 : vector<1x16xf32> to vector<16xf32>
        %add3A_782 = arith.addf %add3A_754, %get3A_781 : vector<16xf32>
        %add3A_783 = arith.constant 24 : i32
        %add3A_784 = arith.addi %mul3A_106, %add3A_783 : i32
        %get3A_785 = arith.index_cast %add3A_784 : i32 to index
        %get3A_786 = arith.constant 48 : index
        %get3A_787 = tpu.vector_load %arg10[%get3A_785, %get3A_786] {strides = array<i32>} : memref<640x64xf32, #tpu.memory_space<vmem>>, vector<1x16xf32>,
        %get3A_788 = vector.shape_cast %get3A_787 : vector<1x16xf32> to vector<16xf32>
        %add3A_789 = arith.addf %add3A_761, %get3A_788 : vector<16xf32>
        %add3A_790 = arith.constant 25 : i32
        %add3A_791 = arith.addi %mul3A_106, %add3A_790 : i32
        %get3A_792 = arith.index_cast %add3A_791 : i32 to index
        %get3A_793 = arith.constant 0 : index
        %get3A_794 = tpu.vector_load %arg10[%get3A_792, %get3A_793] {strides = array<i32>} : memref<640x64xf32, #tpu.memory_space<vmem>>, vector<1x16xf32>,
        %get3A_795 = vector.shape_cast %get3A_794 : vector<1x16xf32> to vector<16xf32>
        %add3A_796 = arith.addf %add3A_768, %get3A_795 : vector<16xf32>
        %add3A_797 = arith.constant 25 : i32
        %add3A_798 = arith.addi %mul3A_106, %add3A_797 : i32
        %get3A_799 = arith.index_cast %add3A_798 : i32 to index
        %get3A_800 = arith.constant 16 : index
        %get3A_801 = tpu.vector_load %arg10[%get3A_799, %get3A_800] {strides = array<i32>} : memref<640x64xf32, #tpu.memory_space<vmem>>, vector<1x16xf32>,
        %get3A_802 = vector.shape_cast %get3A_801 : vector<1x16xf32> to vector<16xf32>
        %add3A_803 = arith.addf %add3A_775, %get3A_802 : vector<16xf32>
        %add3A_804 = arith.constant 25 : i32
        %add3A_805 = arith.addi %mul3A_106, %add3A_804 : i32
        %get3A_806 = arith.index_cast %add3A_805 : i32 to index
        %get3A_807 = arith.constant 32 : index
        %get3A_808 = tpu.vector_load %arg10[%get3A_806, %get3A_807] {strides = array<i32>} : memref<640x64xf32, #tpu.memory_space<vmem>>, vector<1x16xf32>,
        %get3A_809 = vector.shape_cast %get3A_808 : vector<1x16xf32> to vector<16xf32>
        %add3A_810 = arith.addf %add3A_782, %get3A_809 : vector<16xf32>
        %add3A_811 = arith.constant 25 : i32
        %add3A_812 = arith.addi %mul3A_106, %add3A_811 : i32
        %get3A_813 = arith.index_cast %add3A_812 : i32 to index
        %get3A_814 = arith.constant 48 : index
        %get3A_815 = tpu.vector_load %arg10[%get3A_813, %get3A_814] {strides = array<i32>} : memref<640x64xf32, #tpu.memory_space<vmem>>, vector<1x16xf32>,
        %get3A_816 = vector.shape_cast %get3A_815 : vector<1x16xf32> to vector<16xf32>
        %add3A_817 = arith.addf %add3A_789, %get3A_816 : vector<16xf32>
        %add3A_818 = arith.constant 26 : i32
        %add3A_819 = arith.addi %mul3A_106, %add3A_818 : i32
        %get3A_820 = arith.index_cast %add3A_819 : i32 to index
        %get3A_821 = arith.constant 0 : index
        %get3A_822 = tpu.vector_load %arg10[%get3A_820, %get3A_821] {strides = array<i32>} : memref<640x64xf32, #tpu.memory_space<vmem>>, vector<1x16xf32>,
        %get3A_823 = vector.shape_cast %get3A_822 : vector<1x16xf32> to vector<16xf32>
        %add3A_824 = arith.addf %add3A_796, %get3A_823 : vector<16xf32>
        %add3A_825 = arith.constant 26 : i32
        %add3A_826 = arith.addi %mul3A_106, %add3A_825 : i32
        %get3A_827 = arith.index_cast %add3A_826 : i32 to index
        %get3A_828 = arith.constant 16 : index
        %get3A_829 = tpu.vector_load %arg10[%get3A_827, %get3A_828] {strides = array<i32>} : memref<640x64xf32, #tpu.memory_space<vmem>>, vector<1x16xf32>,
        %get3A_830 = vector.shape_cast %get3A_829 : vector<1x16xf32> to vector<16xf32>
        %add3A_831 = arith.addf %add3A_803, %get3A_830 : vector<16xf32>
        %add3A_832 = arith.constant 26 : i32
        %add3A_833 = arith.addi %mul3A_106, %add3A_832 : i32
        %get3A_834 = arith.index_cast %add3A_833 : i32 to index
        %get3A_835 = arith.constant 32 : index
        %get3A_836 = tpu.vector_load %arg10[%get3A_834, %get3A_835] {strides = array<i32>} : memref<640x64xf32, #tpu.memory_space<vmem>>, vector<1x16xf32>,
        %get3A_837 = vector.shape_cast %get3A_836 : vector<1x16xf32> to vector<16xf32>
        %add3A_838 = arith.addf %add3A_810, %get3A_837 : vector<16xf32>
        %add3A_839 = arith.constant 26 : i32
        %add3A_840 = arith.addi %mul3A_106, %add3A_839 : i32
        %get3A_841 = arith.index_cast %add3A_840 : i32 to index
        %get3A_842 = arith.constant 48 : index
        %get3A_843 = tpu.vector_load %arg10[%get3A_841, %get3A_842] {strides = array<i32>} : memref<640x64xf32, #tpu.memory_space<vmem>>, vector<1x16xf32>,
        %get3A_844 = vector.shape_cast %get3A_843 : vector<1x16xf32> to vector<16xf32>
        %add3A_845 = arith.addf %add3A_817, %get3A_844 : vector<16xf32>
        %add3A_846 = arith.constant 27 : i32
        %add3A_847 = arith.addi %mul3A_106, %add3A_846 : i32
        %get3A_848 = arith.index_cast %add3A_847 : i32 to index
        %get3A_849 = arith.constant 0 : index
        %get3A_850 = tpu.vector_load %arg10[%get3A_848, %get3A_849] {strides = array<i32>} : memref<640x64xf32, #tpu.memory_space<vmem>>, vector<1x16xf32>,
        %get3A_851 = vector.shape_cast %get3A_850 : vector<1x16xf32> to vector<16xf32>
        %add3A_852 = arith.addf %add3A_824, %get3A_851 : vector<16xf32>
        %add3A_853 = arith.constant 27 : i32
        %add3A_854 = arith.addi %mul3A_106, %add3A_853 : i32
        %get3A_855 = arith.index_cast %add3A_854 : i32 to index
        %get3A_856 = arith.constant 16 : index
        %get3A_857 = tpu.vector_load %arg10[%get3A_855, %get3A_856] {strides = array<i32>} : memref<640x64xf32, #tpu.memory_space<vmem>>, vector<1x16xf32>,
        %get3A_858 = vector.shape_cast %get3A_857 : vector<1x16xf32> to vector<16xf32>
        %add3A_859 = arith.addf %add3A_831, %get3A_858 : vector<16xf32>
        %add3A_860 = arith.constant 27 : i32
        %add3A_861 = arith.addi %mul3A_106, %add3A_860 : i32
        %get3A_862 = arith.index_cast %add3A_861 : i32 to index
        %get3A_863 = arith.constant 32 : index
        %get3A_864 = tpu.vector_load %arg10[%get3A_862, %get3A_863] {strides = array<i32>} : memref<640x64xf32, #tpu.memory_space<vmem>>, vector<1x16xf32>,
        %get3A_865 = vector.shape_cast %get3A_864 : vector<1x16xf32> to vector<16xf32>
        %add3A_866 = arith.addf %add3A_838, %get3A_865 : vector<16xf32>
        %add3A_867 = arith.constant 27 : i32
        %add3A_868 = arith.addi %mul3A_106, %add3A_867 : i32
        %get3A_869 = arith.index_cast %add3A_868 : i32 to index
        %get3A_870 = arith.constant 48 : index
        %get3A_871 = tpu.vector_load %arg10[%get3A_869, %get3A_870] {strides = array<i32>} : memref<640x64xf32, #tpu.memory_space<vmem>>, vector<1x16xf32>,
        %get3A_872 = vector.shape_cast %get3A_871 : vector<1x16xf32> to vector<16xf32>
        %add3A_873 = arith.addf %add3A_845, %get3A_872 : vector<16xf32>
        %add3A_874 = arith.constant 28 : i32
        %add3A_875 = arith.addi %mul3A_106, %add3A_874 : i32
        %get3A_876 = arith.index_cast %add3A_875 : i32 to index
        %get3A_877 = arith.constant 0 : index
        %get3A_878 = tpu.vector_load %arg10[%get3A_876, %get3A_877] {strides = array<i32>} : memref<640x64xf32, #tpu.memory_space<vmem>>, vector<1x16xf32>,
        %get3A_879 = vector.shape_cast %get3A_878 : vector<1x16xf32> to vector<16xf32>
        %add3A_880 = arith.addf %add3A_852, %get3A_879 : vector<16xf32>
        %add3A_881 = arith.constant 28 : i32
        %add3A_882 = arith.addi %mul3A_106, %add3A_881 : i32
        %get3A_883 = arith.index_cast %add3A_882 : i32 to index
        %get3A_884 = arith.constant 16 : index
        %get3A_885 = tpu.vector_load %arg10[%get3A_883, %get3A_884] {strides = array<i32>} : memref<640x64xf32, #tpu.memory_space<vmem>>, vector<1x16xf32>,
        %get3A_886 = vector.shape_cast %get3A_885 : vector<1x16xf32> to vector<16xf32>
        %add3A_887 = arith.addf %add3A_859, %get3A_886 : vector<16xf32>
        %add3A_888 = arith.constant 28 : i32
        %add3A_889 = arith.addi %mul3A_106, %add3A_888 : i32
        %get3A_890 = arith.index_cast %add3A_889 : i32 to index
        %get3A_891 = arith.constant 32 : index
        %get3A_892 = tpu.vector_load %arg10[%get3A_890, %get3A_891] {strides = array<i32>} : memref<640x64xf32, #tpu.memory_space<vmem>>, vector<1x16xf32>,
        %get3A_893 = vector.shape_cast %get3A_892 : vector<1x16xf32> to vector<16xf32>
        %add3A_894 = arith.addf %add3A_866, %get3A_893 : vector<16xf32>
        %add3A_895 = arith.constant 28 : i32
        %add3A_896 = arith.addi %mul3A_106, %add3A_895 : i32
        %get3A_897 = arith.index_cast %add3A_896 : i32 to index
        %get3A_898 = arith.constant 48 : index
        %get3A_899 = tpu.vector_load %arg10[%get3A_897, %get3A_898] {strides = array<i32>} : memref<640x64xf32, #tpu.memory_space<vmem>>, vector<1x16xf32>,
        %get3A_900 = vector.shape_cast %get3A_899 : vector<1x16xf32> to vector<16xf32>
        %add3A_901 = arith.addf %add3A_873, %get3A_900 : vector<16xf32>
        %add3A_902 = arith.constant 29 : i32
        %add3A_903 = arith.addi %mul3A_106, %add3A_902 : i32
        %get3A_904 = arith.index_cast %add3A_903 : i32 to index
        %get3A_905 = arith.constant 0 : index
        %get3A_906 = tpu.vector_load %arg10[%get3A_904, %get3A_905] {strides = array<i32>} : memref<640x64xf32, #tpu.memory_space<vmem>>, vector<1x16xf32>,
        %get3A_907 = vector.shape_cast %get3A_906 : vector<1x16xf32> to vector<16xf32>
        %add3A_908 = arith.addf %add3A_880, %get3A_907 : vector<16xf32>
        %add3A_909 = arith.constant 29 : i32
        %add3A_910 = arith.addi %mul3A_106, %add3A_909 : i32
        %get3A_911 = arith.index_cast %add3A_910 : i32 to index
        %get3A_912 = arith.constant 16 : index
        %get3A_913 = tpu.vector_load %arg10[%get3A_911, %get3A_912] {strides = array<i32>} : memref<640x64xf32, #tpu.memory_space<vmem>>, vector<1x16xf32>,
        %get3A_914 = vector.shape_cast %get3A_913 : vector<1x16xf32> to vector<16xf32>
        %add3A_915 = arith.addf %add3A_887, %get3A_914 : vector<16xf32>
        %add3A_916 = arith.constant 29 : i32
        %add3A_917 = arith.addi %mul3A_106, %add3A_916 : i32
        %get3A_918 = arith.index_cast %add3A_917 : i32 to index
        %get3A_919 = arith.constant 32 : index
        %get3A_920 = tpu.vector_load %arg10[%get3A_918, %get3A_919] {strides = array<i32>} : memref<640x64xf32, #tpu.memory_space<vmem>>, vector<1x16xf32>,
        %get3A_921 = vector.shape_cast %get3A_920 : vector<1x16xf32> to vector<16xf32>
        %add3A_922 = arith.addf %add3A_894, %get3A_921 : vector<16xf32>
        %add3A_923 = arith.constant 29 : i32
        %add3A_924 = arith.addi %mul3A_106, %add3A_923 : i32
        %get3A_925 = arith.index_cast %add3A_924 : i32 to index
        %get3A_926 = arith.constant 48 : index
        %get3A_927 = tpu.vector_load %arg10[%get3A_925, %get3A_926] {strides = array<i32>} : memref<640x64xf32, #tpu.memory_space<vmem>>, vector<1x16xf32>,
        %get3A_928 = vector.shape_cast %get3A_927 : vector<1x16xf32> to vector<16xf32>
        %add3A_929 = arith.addf %add3A_901, %get3A_928 : vector<16xf32>
        %add3A_930 = arith.constant 30 : i32
        %add3A_931 = arith.addi %mul3A_106, %add3A_930 : i32
        %get3A_932 = arith.index_cast %add3A_931 : i32 to index
        %get3A_933 = arith.constant 0 : index
        %get3A_934 = tpu.vector_load %arg10[%get3A_932, %get3A_933] {strides = array<i32>} : memref<640x64xf32, #tpu.memory_space<vmem>>, vector<1x16xf32>,
        %get3A_935 = vector.shape_cast %get3A_934 : vector<1x16xf32> to vector<16xf32>
        %add3A_936 = arith.addf %add3A_908, %get3A_935 : vector<16xf32>
        %add3A_937 = arith.constant 30 : i32
        %add3A_938 = arith.addi %mul3A_106, %add3A_937 : i32
        %get3A_939 = arith.index_cast %add3A_938 : i32 to index
        %get3A_940 = arith.constant 16 : index
        %get3A_941 = tpu.vector_load %arg10[%get3A_939, %get3A_940] {strides = array<i32>} : memref<640x64xf32, #tpu.memory_space<vmem>>, vector<1x16xf32>,
        %get3A_942 = vector.shape_cast %get3A_941 : vector<1x16xf32> to vector<16xf32>
        %add3A_943 = arith.addf %add3A_915, %get3A_942 : vector<16xf32>
        %add3A_944 = arith.constant 30 : i32
        %add3A_945 = arith.addi %mul3A_106, %add3A_944 : i32
        %get3A_946 = arith.index_cast %add3A_945 : i32 to index
        %get3A_947 = arith.constant 32 : index
        %get3A_948 = tpu.vector_load %arg10[%get3A_946, %get3A_947] {strides = array<i32>} : memref<640x64xf32, #tpu.memory_space<vmem>>, vector<1x16xf32>,
        %get3A_949 = vector.shape_cast %get3A_948 : vector<1x16xf32> to vector<16xf32>
        %add3A_950 = arith.addf %add3A_922, %get3A_949 : vector<16xf32>
        %add3A_951 = arith.constant 30 : i32
        %add3A_952 = arith.addi %mul3A_106, %add3A_951 : i32
        %get3A_953 = arith.index_cast %add3A_952 : i32 to index
        %get3A_954 = arith.constant 48 : index
        %get3A_955 = tpu.vector_load %arg10[%get3A_953, %get3A_954] {strides = array<i32>} : memref<640x64xf32, #tpu.memory_space<vmem>>, vector<1x16xf32>,
        %get3A_956 = vector.shape_cast %get3A_955 : vector<1x16xf32> to vector<16xf32>
        %add3A_957 = arith.addf %add3A_929, %get3A_956 : vector<16xf32>
        %add3A_958 = arith.constant 31 : i32
        %add3A_959 = arith.addi %mul3A_106, %add3A_958 : i32
        %get3A_960 = arith.index_cast %add3A_959 : i32 to index
        %get3A_961 = arith.constant 0 : index
        %get3A_962 = tpu.vector_load %arg10[%get3A_960, %get3A_961] {strides = array<i32>} : memref<640x64xf32, #tpu.memory_space<vmem>>, vector<1x16xf32>,
        %get3A_963 = vector.shape_cast %get3A_962 : vector<1x16xf32> to vector<16xf32>
        %add3A_964 = arith.addf %add3A_936, %get3A_963 : vector<16xf32>
        %add3A_965 = arith.constant 31 : i32
        %add3A_966 = arith.addi %mul3A_106, %add3A_965 : i32
        %get3A_967 = arith.index_cast %add3A_966 : i32 to index
        %get3A_968 = arith.constant 16 : index
        %get3A_969 = tpu.vector_load %arg10[%get3A_967, %get3A_968] {strides = array<i32>} : memref<640x64xf32, #tpu.memory_space<vmem>>, vector<1x16xf32>,
        %get3A_970 = vector.shape_cast %get3A_969 : vector<1x16xf32> to vector<16xf32>
        %add3A_971 = arith.addf %add3A_943, %get3A_970 : vector<16xf32>
        %add3A_972 = arith.constant 31 : i32
        %add3A_973 = arith.addi %mul3A_106, %add3A_972 : i32
        %get3A_974 = arith.index_cast %add3A_973 : i32 to index
        %get3A_975 = arith.constant 32 : index
        %get3A_976 = tpu.vector_load %arg10[%get3A_974, %get3A_975] {strides = array<i32>} : memref<640x64xf32, #tpu.memory_space<vmem>>, vector<1x16xf32>,
        %get3A_977 = vector.shape_cast %get3A_976 : vector<1x16xf32> to vector<16xf32>
        %add3A_978 = arith.addf %add3A_950, %get3A_977 : vector<16xf32>
        %add3A_979 = arith.constant 31 : i32
        %add3A_980 = arith.addi %mul3A_106, %add3A_979 : i32
        %get3A_981 = arith.index_cast %add3A_980 : i32 to index
        %get3A_982 = arith.constant 48 : index
        %get3A_983 = tpu.vector_load %arg10[%get3A_981, %get3A_982] {strides = array<i32>} : memref<640x64xf32, #tpu.memory_space<vmem>>, vector<1x16xf32>,
        %get3A_984 = vector.shape_cast %get3A_983 : vector<1x16xf32> to vector<16xf32>
        %add3A_985 = arith.addf %add3A_957, %get3A_984 : vector<16xf32>
        %add3A_986 = arith.constant 32 : i32
        %add3A_987 = arith.addi %mul3A_106, %add3A_986 : i32
        %get3A_988 = arith.index_cast %add3A_987 : i32 to index
        %get3A_989 = arith.constant 0 : index
        %get3A_990 = tpu.vector_load %arg10[%get3A_988, %get3A_989] {strides = array<i32>} : memref<640x64xf32, #tpu.memory_space<vmem>>, vector<1x16xf32>,
        %get3A_991 = vector.shape_cast %get3A_990 : vector<1x16xf32> to vector<16xf32>
        %add3A_992 = arith.addf %add3A_964, %get3A_991 : vector<16xf32>
        %add3A_993 = arith.constant 32 : i32
        %add3A_994 = arith.addi %mul3A_106, %add3A_993 : i32
        %get3A_995 = arith.index_cast %add3A_994 : i32 to index
        %get3A_996 = arith.constant 16 : index
        %get3A_997 = tpu.vector_load %arg10[%get3A_995, %get3A_996] {strides = array<i32>} : memref<640x64xf32, #tpu.memory_space<vmem>>, vector<1x16xf32>,
        %get3A_998 = vector.shape_cast %get3A_997 : vector<1x16xf32> to vector<16xf32>
        %add3A_999 = arith.addf %add3A_971, %get3A_998 : vector<16xf32>
        %add3A_1000 = arith.constant 32 : i32
        %add3A_1001 = arith.addi %mul3A_106, %add3A_1000 : i32
        %get3A_1002 = arith.index_cast %add3A_1001 : i32 to index
        %get3A_1003 = arith.constant 32 : index
        %get3A_1004 = tpu.vector_load %arg10[%get3A_1002, %get3A_1003] {strides = array<i32>} : memref<640x64xf32, #tpu.memory_space<vmem>>, vector<1x16xf32>,
        %get3A_1005 = vector.shape_cast %get3A_1004 : vector<1x16xf32> to vector<16xf32>
        %add3A_1006 = arith.addf %add3A_978, %get3A_1005 : vector<16xf32>
        %add3A_1007 = arith.constant 32 : i32
        %add3A_1008 = arith.addi %mul3A_106, %add3A_1007 : i32
        %get3A_1009 = arith.index_cast %add3A_1008 : i32 to index
        %get3A_1010 = arith.constant 48 : index
        %get3A_1011 = tpu.vector_load %arg10[%get3A_1009, %get3A_1010] {strides = array<i32>} : memref<640x64xf32, #tpu.memory_space<vmem>>, vector<1x16xf32>,
        %get3A_1012 = vector.shape_cast %get3A_1011 : vector<1x16xf32> to vector<16xf32>
        %add3A_1013 = arith.addf %add3A_985, %get3A_1012 : vector<16xf32>
        %add3A_1014 = arith.constant 33 : i32
        %add3A_1015 = arith.addi %mul3A_106, %add3A_1014 : i32
        %get3A_1016 = arith.index_cast %add3A_1015 : i32 to index
        %get3A_1017 = arith.constant 0 : index
        %get3A_1018 = tpu.vector_load %arg10[%get3A_1016, %get3A_1017] {strides = array<i32>} : memref<640x64xf32, #tpu.memory_space<vmem>>, vector<1x16xf32>,
        %get3A_1019 = vector.shape_cast %get3A_1018 : vector<1x16xf32> to vector<16xf32>
        %add3A_1020 = arith.addf %add3A_992, %get3A_1019 : vector<16xf32>
        %add3A_1021 = arith.constant 33 : i32
        %add3A_1022 = arith.addi %mul3A_106, %add3A_1021 : i32
        %get3A_1023 = arith.index_cast %add3A_1022 : i32 to index
        %get3A_1024 = arith.constant 16 : index
        %get3A_1025 = tpu.vector_load %arg10[%get3A_1023, %get3A_1024] {strides = array<i32>} : memref<640x64xf32, #tpu.memory_space<vmem>>, vector<1x16xf32>,
        %get3A_1026 = vector.shape_cast %get3A_1025 : vector<1x16xf32> to vector<16xf32>
        %add3A_1027 = arith.addf %add3A_999, %get3A_1026 : vector<16xf32>
        %add3A_1028 = arith.constant 33 : i32
        %add3A_1029 = arith.addi %mul3A_106, %add3A_1028 : i32
        %get3A_1030 = arith.index_cast %add3A_1029 : i32 to index
        %get3A_1031 = arith.constant 32 : index
        %get3A_1032 = tpu.vector_load %arg10[%get3A_1030, %get3A_1031] {strides = array<i32>} : memref<640x64xf32, #tpu.memory_space<vmem>>, vector<1x16xf32>,
        %get3A_1033 = vector.shape_cast %get3A_1032 : vector<1x16xf32> to vector<16xf32>
        %add3A_1034 = arith.addf %add3A_1006, %get3A_1033 : vector<16xf32>
        %add3A_1035 = arith.constant 33 : i32
        %add3A_1036 = arith.addi %mul3A_106, %add3A_1035 : i32
        %get3A_1037 = arith.index_cast %add3A_1036 : i32 to index
        %get3A_1038 = arith.constant 48 : index
        %get3A_1039 = tpu.vector_load %arg10[%get3A_1037, %get3A_1038] {strides = array<i32>} : memref<640x64xf32, #tpu.memory_space<vmem>>, vector<1x16xf32>,
        %get3A_1040 = vector.shape_cast %get3A_1039 : vector<1x16xf32> to vector<16xf32>
        %add3A_1041 = arith.addf %add3A_1013, %get3A_1040 : vector<16xf32>
        %add3A_1042 = arith.constant 34 : i32
        %add3A_1043 = arith.addi %mul3A_106, %add3A_1042 : i32
        %get3A_1044 = arith.index_cast %add3A_1043 : i32 to index
        %get3A_1045 = arith.constant 0 : index
        %get3A_1046 = tpu.vector_load %arg10[%get3A_1044, %get3A_1045] {strides = array<i32>} : memref<640x64xf32, #tpu.memory_space<vmem>>, vector<1x16xf32>,
        %get3A_1047 = vector.shape_cast %get3A_1046 : vector<1x16xf32> to vector<16xf32>
        %add3A_1048 = arith.addf %add3A_1020, %get3A_1047 : vector<16xf32>
        %add3A_1049 = arith.constant 34 : i32
        %add3A_1050 = arith.addi %mul3A_106, %add3A_1049 : i32
        %get3A_1051 = arith.index_cast %add3A_1050 : i32 to index
        %get3A_1052 = arith.constant 16 : index
        %get3A_1053 = tpu.vector_load %arg10[%get3A_1051, %get3A_1052] {strides = array<i32>} : memref<640x64xf32, #tpu.memory_space<vmem>>, vector<1x16xf32>,
        %get3A_1054 = vector.shape_cast %get3A_1053 : vector<1x16xf32> to vector<16xf32>
        %add3A_1055 = arith.addf %add3A_1027, %get3A_1054 : vector<16xf32>
        %add3A_1056 = arith.constant 34 : i32
        %add3A_1057 = arith.addi %mul3A_106, %add3A_1056 : i32
        %get3A_1058 = arith.index_cast %add3A_1057 : i32 to index
        %get3A_1059 = arith.constant 32 : index
        %get3A_1060 = tpu.vector_load %arg10[%get3A_1058, %get3A_1059] {strides = array<i32>} : memref<640x64xf32, #tpu.memory_space<vmem>>, vector<1x16xf32>,
        %get3A_1061 = vector.shape_cast %get3A_1060 : vector<1x16xf32> to vector<16xf32>
        %add3A_1062 = arith.addf %add3A_1034, %get3A_1061 : vector<16xf32>
        %add3A_1063 = arith.constant 34 : i32
        %add3A_1064 = arith.addi %mul3A_106, %add3A_1063 : i32
        %get3A_1065 = arith.index_cast %add3A_1064 : i32 to index
        %get3A_1066 = arith.constant 48 : index
        %get3A_1067 = tpu.vector_load %arg10[%get3A_1065, %get3A_1066] {strides = array<i32>} : memref<640x64xf32, #tpu.memory_space<vmem>>, vector<1x16xf32>,
        %get3A_1068 = vector.shape_cast %get3A_1067 : vector<1x16xf32> to vector<16xf32>
        %add3A_1069 = arith.addf %add3A_1041, %get3A_1068 : vector<16xf32>
        %add3A_1070 = arith.constant 35 : i32
        %add3A_1071 = arith.addi %mul3A_106, %add3A_1070 : i32
        %get3A_1072 = arith.index_cast %add3A_1071 : i32 to index
        %get3A_1073 = arith.constant 0 : index
        %get3A_1074 = tpu.vector_load %arg10[%get3A_1072, %get3A_1073] {strides = array<i32>} : memref<640x64xf32, #tpu.memory_space<vmem>>, vector<1x16xf32>,
        %get3A_1075 = vector.shape_cast %get3A_1074 : vector<1x16xf32> to vector<16xf32>
        %add3A_1076 = arith.addf %add3A_1048, %get3A_1075 : vector<16xf32>
        %add3A_1077 = arith.constant 35 : i32
        %add3A_1078 = arith.addi %mul3A_106, %add3A_1077 : i32
        %get3A_1079 = arith.index_cast %add3A_1078 : i32 to index
        %get3A_1080 = arith.constant 16 : index
        %get3A_1081 = tpu.vector_load %arg10[%get3A_1079, %get3A_1080] {strides = array<i32>} : memref<640x64xf32, #tpu.memory_space<vmem>>, vector<1x16xf32>,
        %get3A_1082 = vector.shape_cast %get3A_1081 : vector<1x16xf32> to vector<16xf32>
        %add3A_1083 = arith.addf %add3A_1055, %get3A_1082 : vector<16xf32>
        %add3A_1084 = arith.constant 35 : i32
        %add3A_1085 = arith.addi %mul3A_106, %add3A_1084 : i32
        %get3A_1086 = arith.index_cast %add3A_1085 : i32 to index
        %get3A_1087 = arith.constant 32 : index
        %get3A_1088 = tpu.vector_load %arg10[%get3A_1086, %get3A_1087] {strides = array<i32>} : memref<640x64xf32, #tpu.memory_space<vmem>>, vector<1x16xf32>,
        %get3A_1089 = vector.shape_cast %get3A_1088 : vector<1x16xf32> to vector<16xf32>
        %add3A_1090 = arith.addf %add3A_1062, %get3A_1089 : vector<16xf32>
        %add3A_1091 = arith.constant 35 : i32
        %add3A_1092 = arith.addi %mul3A_106, %add3A_1091 : i32
        %get3A_1093 = arith.index_cast %add3A_1092 : i32 to index
        %get3A_1094 = arith.constant 48 : index
        %get3A_1095 = tpu.vector_load %arg10[%get3A_1093, %get3A_1094] {strides = array<i32>} : memref<640x64xf32, #tpu.memory_space<vmem>>, vector<1x16xf32>,
        %get3A_1096 = vector.shape_cast %get3A_1095 : vector<1x16xf32> to vector<16xf32>
        %add3A_1097 = arith.addf %add3A_1069, %get3A_1096 : vector<16xf32>
        %add3A_1098 = arith.constant 36 : i32
        %add3A_1099 = arith.addi %mul3A_106, %add3A_1098 : i32
        %get3A_1100 = arith.index_cast %add3A_1099 : i32 to index
        %get3A_1101 = arith.constant 0 : index
        %get3A_1102 = tpu.vector_load %arg10[%get3A_1100, %get3A_1101] {strides = array<i32>} : memref<640x64xf32, #tpu.memory_space<vmem>>, vector<1x16xf32>,
        %get3A_1103 = vector.shape_cast %get3A_1102 : vector<1x16xf32> to vector<16xf32>
        %add3A_1104 = arith.addf %add3A_1076, %get3A_1103 : vector<16xf32>
        %add3A_1105 = arith.constant 36 : i32
        %add3A_1106 = arith.addi %mul3A_106, %add3A_1105 : i32
        %get3A_1107 = arith.index_cast %add3A_1106 : i32 to index
        %get3A_1108 = arith.constant 16 : index
        %get3A_1109 = tpu.vector_load %arg10[%get3A_1107, %get3A_1108] {strides = array<i32>} : memref<640x64xf32, #tpu.memory_space<vmem>>, vector<1x16xf32>,
        %get3A_1110 = vector.shape_cast %get3A_1109 : vector<1x16xf32> to vector<16xf32>
        %add3A_1111 = arith.addf %add3A_1083, %get3A_1110 : vector<16xf32>
        %add3A_1112 = arith.constant 36 : i32
        %add3A_1113 = arith.addi %mul3A_106, %add3A_1112 : i32
        %get3A_1114 = arith.index_cast %add3A_1113 : i32 to index
        %get3A_1115 = arith.constant 32 : index
        %get3A_1116 = tpu.vector_load %arg10[%get3A_1114, %get3A_1115] {strides = array<i32>} : memref<640x64xf32, #tpu.memory_space<vmem>>, vector<1x16xf32>,
        %get3A_1117 = vector.shape_cast %get3A_1116 : vector<1x16xf32> to vector<16xf32>
        %add3A_1118 = arith.addf %add3A_1090, %get3A_1117 : vector<16xf32>
        %add3A_1119 = arith.constant 36 : i32
        %add3A_1120 = arith.addi %mul3A_106, %add3A_1119 : i32
        %get3A_1121 = arith.index_cast %add3A_1120 : i32 to index
        %get3A_1122 = arith.constant 48 : index
        %get3A_1123 = tpu.vector_load %arg10[%get3A_1121, %get3A_1122] {strides = array<i32>} : memref<640x64xf32, #tpu.memory_space<vmem>>, vector<1x16xf32>,
        %get3A_1124 = vector.shape_cast %get3A_1123 : vector<1x16xf32> to vector<16xf32>
        %add3A_1125 = arith.addf %add3A_1097, %get3A_1124 : vector<16xf32>
        %add3A_1126 = arith.constant 37 : i32
        %add3A_1127 = arith.addi %mul3A_106, %add3A_1126 : i32
        %get3A_1128 = arith.index_cast %add3A_1127 : i32 to index
        %get3A_1129 = arith.constant 0 : index
        %get3A_1130 = tpu.vector_load %arg10[%get3A_1128, %get3A_1129] {strides = array<i32>} : memref<640x64xf32, #tpu.memory_space<vmem>>, vector<1x16xf32>,
        %get3A_1131 = vector.shape_cast %get3A_1130 : vector<1x16xf32> to vector<16xf32>
        %add3A_1132 = arith.addf %add3A_1104, %get3A_1131 : vector<16xf32>
        %add3A_1133 = arith.constant 37 : i32
        %add3A_1134 = arith.addi %mul3A_106, %add3A_1133 : i32
        %get3A_1135 = arith.index_cast %add3A_1134 : i32 to index
        %get3A_1136 = arith.constant 16 : index
        %get3A_1137 = tpu.vector_load %arg10[%get3A_1135, %get3A_1136] {strides = array<i32>} : memref<640x64xf32, #tpu.memory_space<vmem>>, vector<1x16xf32>,
        %get3A_1138 = vector.shape_cast %get3A_1137 : vector<1x16xf32> to vector<16xf32>
        %add3A_1139 = arith.addf %add3A_1111, %get3A_1138 : vector<16xf32>
        %add3A_1140 = arith.constant 37 : i32
        %add3A_1141 = arith.addi %mul3A_106, %add3A_1140 : i32
        %get3A_1142 = arith.index_cast %add3A_1141 : i32 to index
        %get3A_1143 = arith.constant 32 : index
        %get3A_1144 = tpu.vector_load %arg10[%get3A_1142, %get3A_1143] {strides = array<i32>} : memref<640x64xf32, #tpu.memory_space<vmem>>, vector<1x16xf32>,
        %get3A_1145 = vector.shape_cast %get3A_1144 : vector<1x16xf32> to vector<16xf32>
        %add3A_1146 = arith.addf %add3A_1118, %get3A_1145 : vector<16xf32>
        %add3A_1147 = arith.constant 37 : i32
        %add3A_1148 = arith.addi %mul3A_106, %add3A_1147 : i32
        %get3A_1149 = arith.index_cast %add3A_1148 : i32 to index
        %get3A_1150 = arith.constant 48 : index
        %get3A_1151 = tpu.vector_load %arg10[%get3A_1149, %get3A_1150] {strides = array<i32>} : memref<640x64xf32, #tpu.memory_space<vmem>>, vector<1x16xf32>,
        %get3A_1152 = vector.shape_cast %get3A_1151 : vector<1x16xf32> to vector<16xf32>
        %add3A_1153 = arith.addf %add3A_1125, %get3A_1152 : vector<16xf32>
        %add3A_1154 = arith.constant 38 : i32
        %add3A_1155 = arith.addi %mul3A_106, %add3A_1154 : i32
        %get3A_1156 = arith.index_cast %add3A_1155 : i32 to index
        %get3A_1157 = arith.constant 0 : index
        %get3A_1158 = tpu.vector_load %arg10[%get3A_1156, %get3A_1157] {strides = array<i32>} : memref<640x64xf32, #tpu.memory_space<vmem>>, vector<1x16xf32>,
        %get3A_1159 = vector.shape_cast %get3A_1158 : vector<1x16xf32> to vector<16xf32>
        %add3A_1160 = arith.addf %add3A_1132, %get3A_1159 : vector<16xf32>
        %add3A_1161 = arith.constant 38 : i32
        %add3A_1162 = arith.addi %mul3A_106, %add3A_1161 : i32
        %get3A_1163 = arith.index_cast %add3A_1162 : i32 to index
        %get3A_1164 = arith.constant 16 : index
        %get3A_1165 = tpu.vector_load %arg10[%get3A_1163, %get3A_1164] {strides = array<i32>} : memref<640x64xf32, #tpu.memory_space<vmem>>, vector<1x16xf32>,
        %get3A_1166 = vector.shape_cast %get3A_1165 : vector<1x16xf32> to vector<16xf32>
        %add3A_1167 = arith.addf %add3A_1139, %get3A_1166 : vector<16xf32>
        %add3A_1168 = arith.constant 38 : i32
        %add3A_1169 = arith.addi %mul3A_106, %add3A_1168 : i32
        %get3A_1170 = arith.index_cast %add3A_1169 : i32 to index
        %get3A_1171 = arith.constant 32 : index
        %get3A_1172 = tpu.vector_load %arg10[%get3A_1170, %get3A_1171] {strides = array<i32>} : memref<640x64xf32, #tpu.memory_space<vmem>>, vector<1x16xf32>,
        %get3A_1173 = vector.shape_cast %get3A_1172 : vector<1x16xf32> to vector<16xf32>
        %add3A_1174 = arith.addf %add3A_1146, %get3A_1173 : vector<16xf32>
        %add3A_1175 = arith.constant 38 : i32
        %add3A_1176 = arith.addi %mul3A_106, %add3A_1175 : i32
        %get3A_1177 = arith.index_cast %add3A_1176 : i32 to index
        %get3A_1178 = arith.constant 48 : index
        %get3A_1179 = tpu.vector_load %arg10[%get3A_1177, %get3A_1178] {strides = array<i32>} : memref<640x64xf32, #tpu.memory_space<vmem>>, vector<1x16xf32>,
        %get3A_1180 = vector.shape_cast %get3A_1179 : vector<1x16xf32> to vector<16xf32>
        %add3A_1181 = arith.addf %add3A_1153, %get3A_1180 : vector<16xf32>
        %add3A_1182 = arith.constant 39 : i32
        %add3A_1183 = arith.addi %mul3A_106, %add3A_1182 : i32
        %get3A_1184 = arith.index_cast %add3A_1183 : i32 to index
        %get3A_1185 = arith.constant 0 : index
        %get3A_1186 = tpu.vector_load %arg10[%get3A_1184, %get3A_1185] {strides = array<i32>} : memref<640x64xf32, #tpu.memory_space<vmem>>, vector<1x16xf32>,
        %get3A_1187 = vector.shape_cast %get3A_1186 : vector<1x16xf32> to vector<16xf32>
        %add3A_1188 = arith.addf %add3A_1160, %get3A_1187 : vector<16xf32>
        %add3A_1189 = arith.constant 39 : i32
        %add3A_1190 = arith.addi %mul3A_106, %add3A_1189 : i32
        %get3A_1191 = arith.index_cast %add3A_1190 : i32 to index
        %get3A_1192 = arith.constant 16 : index
        %get3A_1193 = tpu.vector_load %arg10[%get3A_1191, %get3A_1192] {strides = array<i32>} : memref<640x64xf32, #tpu.memory_space<vmem>>, vector<1x16xf32>,
        %get3A_1194 = vector.shape_cast %get3A_1193 : vector<1x16xf32> to vector<16xf32>
        %add3A_1195 = arith.addf %add3A_1167, %get3A_1194 : vector<16xf32>
        %add3A_1196 = arith.constant 39 : i32
        %add3A_1197 = arith.addi %mul3A_106, %add3A_1196 : i32
        %get3A_1198 = arith.index_cast %add3A_1197 : i32 to index
        %get3A_1199 = arith.constant 32 : index
        %get3A_1200 = tpu.vector_load %arg10[%get3A_1198, %get3A_1199] {strides = array<i32>} : memref<640x64xf32, #tpu.memory_space<vmem>>, vector<1x16xf32>,
        %get3A_1201 = vector.shape_cast %get3A_1200 : vector<1x16xf32> to vector<16xf32>
        %add3A_1202 = arith.addf %add3A_1174, %get3A_1201 : vector<16xf32>
        %add3A_1203 = arith.constant 39 : i32
        %add3A_1204 = arith.addi %mul3A_106, %add3A_1203 : i32
        %get3A_1205 = arith.index_cast %add3A_1204 : i32 to index
        %get3A_1206 = arith.constant 48 : index
        %get3A_1207 = tpu.vector_load %arg10[%get3A_1205, %get3A_1206] {strides = array<i32>} : memref<640x64xf32, #tpu.memory_space<vmem>>, vector<1x16xf32>,
        %get3A_1208 = vector.shape_cast %get3A_1207 : vector<1x16xf32> to vector<16xf32>
        %add3A_1209 = arith.addf %add3A_1181, %get3A_1208 : vector<16xf32>
        %broadcast_in_dim3A = arith.constant 0.000000e+00 : f32
        %broadcast_in_dim3A_1210 = vector.broadcast %broadcast_in_dim3A : f32 to vector<16xf32>
        %broadcast_in_dim3A_1211 = arith.constant 0.000000e+00 : f32
        %broadcast_in_dim3A_1212 = vector.broadcast %broadcast_in_dim3A_1211 : f32 to vector<16xf32>
        %get3A_1213 = arith.index_cast %scan3A_104 : i32 to index
        %get3A_1214 = arith.constant 0 : index
        %get3A_1215 = tpu.vector_load %arg11[%get3A_1213, %get3A_1214] {strides = array<i32>} : memref<16x64xf32, #tpu.memory_space<vmem>>, vector<1x16xf32>,
        %get3A_1216 = vector.shape_cast %get3A_1215 : vector<1x16xf32> to vector<16xf32>
        %mul3A_1217 = arith.mulf %add3A_632, %get3A_1216 : vector<16xf32>
        %add3A_1218 = arith.addf %broadcast_in_dim3A_1210, %mul3A_1217 : vector<16xf32>
        %mul3A_1219 = arith.mulf %add3A_1188, %get3A_1216 : vector<16xf32>
        %add3A_1220 = arith.addf %broadcast_in_dim3A_1212, %mul3A_1219 : vector<16xf32>
        %get3A_1221 = arith.index_cast %scan3A_104 : i32 to index
        %get3A_1222 = arith.constant 16 : index
        %get3A_1223 = tpu.vector_load %arg11[%get3A_1221, %get3A_1222] {strides = array<i32>} : memref<16x64xf32, #tpu.memory_space<vmem>>, vector<1x16xf32>,
        %get3A_1224 = vector.shape_cast %get3A_1223 : vector<1x16xf32> to vector<16xf32>
        %mul3A_1225 = arith.mulf %add3A_639, %get3A_1224 : vector<16xf32>
        %add3A_1226 = arith.addf %add3A_1218, %mul3A_1225 : vector<16xf32>
        %mul3A_1227 = arith.mulf %add3A_1195, %get3A_1224 : vector<16xf32>
        %add3A_1228 = arith.addf %add3A_1220, %mul3A_1227 : vector<16xf32>
        %get3A_1229 = arith.index_cast %scan3A_104 : i32 to index
        %get3A_1230 = arith.constant 32 : index
        %get3A_1231 = tpu.vector_load %arg11[%get3A_1229, %get3A_1230] {strides = array<i32>} : memref<16x64xf32, #tpu.memory_space<vmem>>, vector<1x16xf32>,
        %get3A_1232 = vector.shape_cast %get3A_1231 : vector<1x16xf32> to vector<16xf32>
        %mul3A_1233 = arith.mulf %add3A_646, %get3A_1232 : vector<16xf32>
        %add3A_1234 = arith.addf %add3A_1226, %mul3A_1233 : vector<16xf32>
        %mul3A_1235 = arith.mulf %add3A_1202, %get3A_1232 : vector<16xf32>
        %add3A_1236 = arith.addf %add3A_1228, %mul3A_1235 : vector<16xf32>
        %get3A_1237 = arith.index_cast %scan3A_104 : i32 to index
        %get3A_1238 = arith.constant 48 : index
        %get3A_1239 = tpu.vector_load %arg11[%get3A_1237, %get3A_1238] {strides = array<i32>} : memref<16x64xf32, #tpu.memory_space<vmem>>, vector<1x16xf32>,
        %get3A_1240 = vector.shape_cast %get3A_1239 : vector<1x16xf32> to vector<16xf32>
        %mul3A_1241 = arith.mulf %add3A_653, %get3A_1240 : vector<16xf32>
        %add3A_1242 = arith.addf %add3A_1234, %mul3A_1241 : vector<16xf32>
        %mul3A_1243 = arith.mulf %add3A_1209, %get3A_1240 : vector<16xf32>
        %add3A_1244 = arith.addf %add3A_1236, %mul3A_1243 : vector<16xf32>
        %swap3A = arith.index_cast %scan3A_104 : i32 to index
        %swap3A_1245 = arith.constant 0 : index
        %swap3A_1246 = tpu.vector_load %arg12[%swap3A, %swap3A_1245] {strides = array<i32>} : memref<16x16xf32, #tpu.memory_space<vmem>>, vector<1x16xf32>,
        %swap3A_1247 = vector.shape_cast %swap3A_1246 : vector<1x16xf32> to vector<16xf32>
        %swap3A_1248 = vector.shape_cast %add3A_1242 : vector<16xf32> to vector<1x16xf32>
        tpu.vector_store %arg12[%swap3A, %swap3A_1245], %swap3A_1248 {strides = array<i32>} : memref<16x16xf32, #tpu.memory_space<vmem>>, vector<1x16xf32>,
        %swap3A_1249 = arith.index_cast %scan3A_104 : i32 to index
        %swap3A_1250 = arith.constant 0 : index
        %swap3A_1251 = tpu.vector_load %arg13[%swap3A_1249, %swap3A_1250] {strides = array<i32>} : memref<16x16xf32, #tpu.memory_space<vmem>>, vector<1x16xf32>,
        %swap3A_1252 = vector.shape_cast %swap3A_1251 : vector<1x16xf32> to vector<16xf32>
        %swap3A_1253 = vector.shape_cast %add3A_1244 : vector<16xf32> to vector<1x16xf32>
        tpu.vector_store %arg13[%swap3A_1249, %swap3A_1250], %swap3A_1253 {strides = array<i32>} : memref<16x16xf32, #tpu.memory_space<vmem>>, vector<1x16xf32>,
      }
      %scan3A_103 = arith.constant 16 : i32
      "tpu.region"() ({
        %run_scoped3A = tpu.sem_alloc : memref<!tpu.dma_semaphore, #tpu.memory_space<semaphore_mem>>
        %dma_start3A_104 = arith.constant 0 : i32
        %dma_start3A_105 = tpu.memref_slice %arg6[%add3A_11, %dma_start3A_104] : memref<16384x16xf32, #tpu.memory_space<hbm>> -> memref<16x16xf32, #tpu.memory_space<hbm>>
        %dma_start3A_106 = arith.constant 0 : i32
        %dma_start3A_107 = tpu.memref_slice %arg6[%add3A_11, %dma_start3A_106] : memref<16384x16xf32, #tpu.memory_space<hbm>> -> memref<16x16xf32, #tpu.memory_space<hbm>>
        tpu.enqueue_dma source(%arg12 : memref<16x16xf32, #tpu.memory_space<vmem>>) target(%dma_start3A_107 : memref<16x16xf32, #tpu.memory_space<hbm>>) target_semaphore(%run_scoped3A : memref<!tpu.dma_semaphore, #tpu.memory_space<semaphore_mem>>)
        %dma_wait3A_108 = arith.constant 0 : i32
        %dma_wait3A_109 = tpu.memref_slice %arg6[%add3A_11, %dma_wait3A_108] : memref<16384x16xf32, #tpu.memory_space<hbm>> -> memref<16x16xf32, #tpu.memory_space<hbm>>
        %dma_wait3A_110 = arith.constant 0 : i32
        %dma_wait3A_111 = tpu.memref_slice %arg6[%add3A_11, %dma_wait3A_110] : memref<16384x16xf32, #tpu.memory_space<hbm>> -> memref<16x16xf32, #tpu.memory_space<hbm>>
        tpu.wait_dma2 semaphore(%run_scoped3A : memref<!tpu.dma_semaphore, #tpu.memory_space<semaphore_mem>>) src(%arg12 : memref<16x16xf32, #tpu.memory_space<vmem>>) dst(%dma_wait3A_111 : memref<16x16xf32, #tpu.memory_space<hbm>>)
        tpu.yield
      }) : () -> ()
      "tpu.region"() ({
        %run_scoped3A = tpu.sem_alloc : memref<!tpu.dma_semaphore, #tpu.memory_space<semaphore_mem>>
        %dma_start3A_104 = arith.constant 0 : i32
        %dma_start3A_105 = tpu.memref_slice %arg7[%add3A_11, %dma_start3A_104] : memref<16384x16xf32, #tpu.memory_space<hbm>> -> memref<16x16xf32, #tpu.memory_space<hbm>>
        %dma_start3A_106 = arith.constant 0 : i32
        %dma_start3A_107 = tpu.memref_slice %arg7[%add3A_11, %dma_start3A_106] : memref<16384x16xf32, #tpu.memory_space<hbm>> -> memref<16x16xf32, #tpu.memory_space<hbm>>
        tpu.enqueue_dma source(%arg13 : memref<16x16xf32, #tpu.memory_space<vmem>>) target(%dma_start3A_107 : memref<16x16xf32, #tpu.memory_space<hbm>>) target_semaphore(%run_scoped3A : memref<!tpu.dma_semaphore, #tpu.memory_space<semaphore_mem>>)
        %dma_wait3A_108 = arith.constant 0 : i32
        %dma_wait3A_109 = tpu.memref_slice %arg7[%add3A_11, %dma_wait3A_108] : memref<16384x16xf32, #tpu.memory_space<hbm>> -> memref<16x16xf32, #tpu.memory_space<hbm>>
        %dma_wait3A_110 = arith.constant 0 : i32
        %dma_wait3A_111 = tpu.memref_slice %arg7[%add3A_11, %dma_wait3A_110] : memref<16384x16xf32, #tpu.memory_space<hbm>> -> memref<16x16xf32, #tpu.memory_space<hbm>>
        tpu.wait_dma2 semaphore(%run_scoped3A : memref<!tpu.dma_semaphore, #tpu.memory_space<semaphore_mem>>) src(%arg13 : memref<16x16xf32, #tpu.memory_space<vmem>>) dst(%dma_wait3A_111 : memref<16x16xf32, #tpu.memory_space<hbm>>)
        tpu.yield
      }) : () -> ()
    }
    %scan3A_5 = arith.constant 32 : i32
    return
  }
}

module attributes {stable_mosaic.version = 14 : i64} {
  func.func @body(%arg0: memref<16384x16xf32, #tpu.memory_space<vmem>>, %arg1: memref<16384x16xf32, #tpu.memory_space<vmem>>, %arg2: memref<1x1xf32, #tpu.memory_space<smem>>) attributes {dimension_semantics = [], scalar_prefetch = 0 : i64, scratch_operands = 0 : i64, tpu.core_type = #tpu.core_type<tc>} {
    %get3A = arith.constant 0 : index
    %get3A_0 = arith.constant 0 : index
    %get3A_1 = vector.load %arg0[%get3A, %get3A_0] : memref<16384x16xf32, #tpu.memory_space<vmem>>, vector<16384x16xf32>
    %reduce_sum3A = arith.constant dense<0.000000e+00> : vector<16384xf32>
    %reduce_sum3A_2 = vector.multi_reduction <add>, %get3A_1, %reduce_sum3A [1] : vector<16384x16xf32> to vector<16384xf32>
    %get3A_3 = arith.constant 0 : index
    %get3A_4 = arith.constant 0 : index
    %get3A_5 = vector.load %arg1[%get3A_3, %get3A_4] : memref<16384x16xf32, #tpu.memory_space<vmem>>, vector<16384x16xf32>
    %reduce_sum3A_6 = arith.constant dense<0.000000e+00> : vector<16384xf32>
    %reduce_sum3A_7 = vector.multi_reduction <add>, %get3A_5, %reduce_sum3A_6 [1] : vector<16384x16xf32> to vector<16384xf32>
    %min3A = arith.constant 0.000000e+00 : f32
    %min3A_8 = vector.broadcast %min3A : f32 to vector<16384xf32>
    %min3A_9 = arith.minimumf %reduce_sum3A_2, %min3A_8 : vector<16384xf32>
    %abs3A = math.absf %reduce_sum3A_2 : vector<16384xf32>
    %neg3A = arith.constant 0.000000e+00 : f32
    %neg3A_10 = vector.broadcast %neg3A : f32 to vector<16384xf32>
    %neg3A_11 = arith.subf %neg3A_10, %abs3A : vector<16384xf32>
    %exp3A = math.exp %neg3A_11 : vector<16384xf32>
    %add3A = arith.constant 1.000000e+00 : f32
    %add3A_12 = vector.broadcast %add3A : f32 to vector<16384xf32>
    %add3A_13 = arith.addf %add3A_12, %exp3A : vector<16384xf32>
    %log3A = math.log %add3A_13 : vector<16384xf32>
    %sub3A = arith.subf %min3A_9, %log3A : vector<16384xf32>
    %neg3A_14 = arith.constant 0.000000e+00 : f32
    %neg3A_15 = vector.broadcast %neg3A_14 : f32 to vector<16384xf32>
    %neg3A_16 = arith.subf %neg3A_15, %reduce_sum3A_7 : vector<16384xf32>
    %min3A_17 = arith.constant 0.000000e+00 : f32
    %min3A_18 = vector.broadcast %min3A_17 : f32 to vector<16384xf32>
    %min3A_19 = arith.minimumf %neg3A_16, %min3A_18 : vector<16384xf32>
    %abs3A_20 = math.absf %neg3A_16 : vector<16384xf32>
    %neg3A_21 = arith.constant 0.000000e+00 : f32
    %neg3A_22 = vector.broadcast %neg3A_21 : f32 to vector<16384xf32>
    %neg3A_23 = arith.subf %neg3A_22, %abs3A_20 : vector<16384xf32>
    %exp3A_24 = math.exp %neg3A_23 : vector<16384xf32>
    %add3A_25 = arith.constant 1.000000e+00 : f32
    %add3A_26 = vector.broadcast %add3A_25 : f32 to vector<16384xf32>
    %add3A_27 = arith.addf %add3A_26, %exp3A_24 : vector<16384xf32>
    %log3A_28 = math.log %add3A_27 : vector<16384xf32>
    %sub3A_29 = arith.subf %min3A_19, %log3A_28 : vector<16384xf32>
    %add3A_30 = arith.addf %sub3A, %sub3A_29 : vector<16384xf32>
    %reduce_sum3A_31 = vector.shape_cast %add3A_30 : vector<16384xf32> to vector<1x16384xf32>
    %reduce_sum3A_32 = arith.constant dense<0.000000e+00> : vector<1xf32>
    %reduce_sum3A_33 = vector.multi_reduction <add>, %reduce_sum3A_31, %reduce_sum3A_32 [1] : vector<1x16384xf32> to vector<1xf32>
    %reduce_sum3A_34 = vector.shape_cast %reduce_sum3A_33 : vector<1xf32> to vector<1x1xf32>
    %reduce_sum3A_35 = vector.extract %reduce_sum3A_34[0, 0] : f32 from vector<1x1xf32>
    %div3A = arith.constant 1.638400e+04 : f32
    %div3A_36 = arith.divf %reduce_sum3A_35, %div3A : f32
    %neg3A_37 = arith.constant 0.000000e+00 : f32
    %neg3A_38 = arith.subf %neg3A_37, %div3A_36 : f32
    %swap3A = arith.constant 0 : index
    %swap3A_39 = arith.constant 0 : index
    %swap3A_40 = memref.load %arg2[%swap3A, %swap3A_39] : memref<1x1xf32, #tpu.memory_space<smem>>
    memref.store %neg3A_38, %arg2[%swap3A, %swap3A_39] : memref<1x1xf32, #tpu.memory_space<smem>>
    return
  }
}

</mosaic_0001>

<sc_bundles>
// kernel: kernel.4.cloned.1.call-start
scs
__scs_entry_jumppad:
0x0: {  	(pc) =	sbr.rel $0x88, $3  }
0x1: {  	(tag) =	ssettag $0x0;
	lr =	simm.s32 $0x1  }
0x2: {  	[smem:$0x3F9C] =	sst lr;
	_ =	strace $0xD0000000  }
0x3: {  	_ = 	snop  }
0x4: {  	_ = 	snop  }
0x5: {  	_ = 	snop  }
0x6: {  	_ = 	snop  }
0x7: {  	_ = 	snop  }
__scs_overlays_trampoline_lowered:
0x8: {  	[smem:$0x3FAB] =	sst s0  }
0x9: {  	[smem:$0x3FAC] =	sst s1  }
0xa: {  	[smem:$0x3FAD] =	sst s2  }
0xb: {  	[smem:$0x3FAE] =	sst s3  }
0xc: {  	[smem:$0x3FAF] =	sst s4  }
0xd: {  	[smem:$0x3FB0] =	sst s5  }
0xe: {  	[smem:$0x3FB1] =	sst s6  }
0xf: {  	[smem:$0x3FB2] =	sst s7  }
0x10: {  	[smem:$0x3FB3] =	sst s8  }
0x11: {  	[smem:$0x3FB4] =	sst s9;
	s0 =	simm.s32 @!p0 $0x0  }
0x12: {  	s1 =	sld [smem:$0x3F9A];
	s0 =	simm.s32 @p0 $0x1  }
0x13: {  	[smem:$0x3FB5] =	sst s0;
	s0 =	simm.s32 @!p1 $0x0  }
0x14: {  	s2 =	sld [smem:$0x3F99];
	s0 =	simm.s32 @p1 $0x1  }
0x15: {  	[smem:$0x3FB6] =	sst s0;
	s0 =	simm.s32 @!p2 $0x0  }
0x16: {  	s3 =	sld [smem:$0x3FDB];
	s0 =	simm.s32 @p2 $0x1  }
0x17: {  	s4 =	simm.s32 $0x1BF5;
	[smem:$0x3FB8] =	sst s0  }
0x18: {  	s0 =	sld [smem:$0x3F9B];
	_ =	swait.ge [sflag:s4], $0x0  }
0x19: {  	s7 =	sld [smem:$0x3F9C]  }
0x1a: {  	s8 =	sadd.s32 $0xFFFFE003, lr  }
0x1b: {  	s9 =	sadd.s32 $0xFFFFFEF7, lr;
	s5 =	simm.s32 $0xFFFFFFFF;
	p2 =	slt.u32 s8, $0xFFFFF086  }
0x1c: {  	p1 =	slt.u32 s9, $0xF7A;
	s5 =	simm.s32 @!p2 $0x0  }
0x1d: {  	s5 =	simm.s32 @p1 $0x1;
	p0 =	seq.s32 s7, s2  }
0x1e: {  	s7 =	smul.u32 @!p0 $0xF7A, s2;
	p2 =	seq.s32 @!p0 s5, $0x0  }
0x1f: {  	s9 =	smul.u32 $0xF7A, s1;
	s8 =	simm.s32 @!p0 $0x1BF5;
	p2 =	por !p2, p0  }
0x20: {  	[sflag:s8] =	ssyncset.s32 @!p0 $0xFFFFF086;
	s6 =	sadd.s32 @!p0 s3, s7;
	s7 =	simm.s32 @!p0 $0x108  }
0x21: {  	s3 =	sadd.s32 s3, s9;
	s6 =	sadd.s32 @!p0 $0x88, s6;
	s7 =	simm.s32 @p2 $0x1082  }
0x22: {  	[simem:s7], [sflag:s8] =	dma.local @!p0 [hbm:s6], $0xF7A  }
0x23: {  	s9 =	sor.u32 $0xD0000000, s2;
	s6 =	simm.s32 $0x108;
	_ =	swait.ge @!p0 [sflag:s8], $0x0  }
0x24: {  	s3 =	sadd.s32 $0x88, s3;
	s6 =	simm.s32 @!p1 $0x1082;
	[sflag:s4] =	ssyncset.s32 $0xFFFFF086  }
0x25: {  	[simem:s6], [sflag:s4] =	dma.local [hbm:s3], $0xF7A  }
0x26: {  	[smem:$0x3F9C] =	sst s1;
	(tag) =	ssettag s2;
	_ =	strace s9  }
0x27: {  	s1 =	sld [smem:$0x3FAC]  }
0x28: {  	s2 =	sld [smem:$0x3FAD]  }
0x29: {  	s4 =	sld [smem:$0x3FAF]  }
0x2a: {  	p0 =	seq.s32 s5, $0x0;
	s5 =	sld [smem:$0x3FB0]  }
0x2b: {  	s6 =	sld [smem:$0x3FB1]  }
0x2c: {  	s7 =	sld [smem:$0x3FB2]  }
0x2d: {  	s3 =	simm.s32 $0x108;
	s8 =	sld [smem:$0x3FB3]  }
0x2e: {  	s3 =	simm.s32 @!p0 $0x1082;
	s9 =	sld [smem:$0x3FB4]  }
0x2f: {  	lr =	sadd.s32 s0, s3;
	s0 =	sld [smem:$0x3FAB]  }
0x30: {  	s3 =	sld [smem:$0x3FAE]  }
0x31: {  	[smem:$0x3FB7] =	sst s10  }
0x32: {  	s10 =	sld [smem:$0x3FB5];
	_ =	sdelay $0x3  }
0x33: {  	p0 =	seq.s32 s10, $0x1;
	s10 =	sld [smem:$0x3FB7];
	_ =	sdelay $0x3  }
0x34: {  	[smem:$0x3FB7] =	sst s10  }
0x35: {  	s10 =	sld [smem:$0x3FB6];
	_ =	sdelay $0x3  }
0x36: {  	p1 =	seq.s32 s10, $0x1;
	s10 =	sld [smem:$0x3FB7];
	_ =	sdelay $0x3  }
0x37: {  	[smem:$0x3FB7] =	sst s10  }
0x38: {  	s10 =	sld [smem:$0x3FB8]  }
0x39: {  	_ = 	snop;
	(pc) =	sbr.ind lr, $3  }
0x3a: {  	_ = 	snop  }
0x3b: {  	_ = 	snop  }
0x3c: {  	p2 =	seq.s32 s10, $0x1;
	s10 =	sld [smem:$0x3FB7]  }
0x3d: {  	_ =	shalt  }
0x3e: {  	_ =	shalt  }
0x3f: {  	_ =	shalt  }
0x40: {  	_ =	shalt  }
0x41: {  	_ =	shalt  }
0x42: {  	_ =	shalt  }
0x43: {  	_ =	shalt  }
0x44: {  	_ =	shalt  }
0x45: {  	_ =	shalt  }
0x46: {  	_ =	shalt  }
0x47: {  	_ =	shalt  }
0x48: {  	_ =	shalt  }
0x49: {  	_ =	shalt  }
0x4a: {  	_ =	shalt  }
0x4b: {  	_ =	shalt  }
0x4c: {  	_ =	shalt  }
0x4d: {  	_ =	shalt  }
0x4e: {  	_ =	shalt  }
0x4f: {  	_ =	shalt  }
0x50: {  	_ =	shalt  }
0x51: {  	_ =	shalt  }
0x52: {  	_ =	shalt  }
0x53: {  	_ =	shalt  }
0x54: {  	_ =	shalt  }
0x55: {  	_ =	shalt  }
0x56: {  	_ =	shalt  }
0x57: {  	_ =	shalt  }
0x58: {  	_ =	shalt  }
0x59: {  	_ =	shalt  }
0x5a: {  	_ =	shalt  }
0x5b: {  	_ =	shalt  }
0x5c: {  	_ =	shalt  }
0x5d: {  	_ =	shalt  }
0x5e: {  	_ =	shalt  }
0x5f: {  	_ =	shalt  }
0x60: {  	_ =	shalt  }
0x61: {  	_ =	shalt  }
0x62: {  	_ =	shalt  }
0x63: {  	_ =	shalt  }
0x64: {  	_ =	shalt  }
0x65: {  	_ =	shalt  }
0x66: {  	_ =	shalt  }
0x67: {  	_ =	shalt  }
0x68: {  	_ =	shalt  }
0x69: {  	_ =	shalt  }
0x6a: {  	_ =	shalt  }
0x6b: {  	_ =	shalt  }
0x6c: {  	_ =	shalt  }
0x6d: {  	_ =	shalt  }
0x6e: {  	_ =	shalt  }
0x6f: {  	_ =	shalt  }
0x70: {  	_ =	shalt  }
0x71: {  	_ =	shalt  }
0x72: {  	_ =	shalt  }
0x73: {  	_ =	shalt  }
0x74: {  	_ =	shalt  }
0x75: {  	_ =	shalt  }
0x76: {  	_ =	shalt  }
0x77: {  	_ =	shalt  }
0x78: {  	_ =	shalt  }
0x79: {  	_ =	shalt  }
0x7a: {  	_ =	shalt  }
0x7b: {  	_ =	shalt  }
0x7c: {  	_ =	shalt  }
0x7d: {  	_ =	shalt  }
0x7e: {  	_ =	shalt  }
0x7f: {  	_ =	shalt  }
0x80: {  	_ =	shalt  }
0x81: {  	_ =	shalt  }
0x82: {  	_ =	shalt  }
0x83: {  	_ =	shalt  }
0x84: {  	_ =	shalt  }
0x85: {  	_ =	shalt  }
0x86: {  	_ =	shalt  }
0x87: {  	_ =	shalt  }
.Lfunc_end0:
.L_simem_size_0:
called_computation_lowered:
.L_overlay_start_0:
0x88: {  	s2 =	sld [smem:$0x3FD9]  }
0x89: {  	s3 =	sld [smem:$0x3FFE];
	_ =	sdelay $0x1  }
0x8a: {  	s1 =	srdreg.scid  }
0x8b: {  	s0 =	sand.u32 $0x1, s1  }
0x8c: {  	s17 =	sshll.u32 s0, $0xA;
	s2 =	sadd.s32 s3, s2  }
0x8d: {  	s2 =	sadd.s32 s2, s17  }
0x8e: {  	[smem:$0x3FC3] =	sst s2  }
0x8f: {  	_ = 	snop  }
0x90: {  	s2 =	sld [smem:$0x3FC9];
	(tm) =	ssettm $0x1  }
0x91: {  	s18 =	sld [smem:$0x3FFB];
	_ =	sdelay $0x3  }
0x92: {  	_ =	strace s18  }
0x93: {  	s3 =	sld [smem:$0x3FFC];
	_ =	sdelay $0x3  }
0x94: {  	_ =	strace s3  }
0x95: {  	s3 =	sld [smem:$0x3FFD];
	_ =	sdelay $0x3  }
0x96: {  	_ =	strace s3  }
0x97: {  	_ =	strace $0x8FFFFFFF  }
0x98: {  	s19 =	sld [smem:$0x3FDB];
	_ =	sdelay $0x1  }
0x99: {  	s4 =	simm.s32 $_scs_section_size  }
0x9a: {  	s5 =	simm.s32 $_size__tile_overlayer_lowered;
	s6 =	simm.s32 $_tile_overlayer_lowered  }
0x9b: {  	s22 =	simm.s32 $0x1BFF;
	s21 =	sshll.u32 s6, $0x1;
	s3 =	sadd.s32 s4, s19  }
0x9c: {  	s7 =	simm.s32 $0x0;
	s20 =	sshll.u32 s5, $0x1;
	s5 =	sadd.s32 s21, s3  }
0x9d: {  	[timem:s7], [sflag:s22] =	dma.local [hbm:s5], s20  }
0x9e: {  	_ =	swait.ge [sflag:s22], s20  }
0x9f: {  	s4 =	ssub.s32 $0x0, s20;
	[sflag:s22] =	ssyncset.done $0x0  }
0xa0: {  	[sflag:s22] =	ssyncadd.s32 s4;
	_ =	sdelay $0x1  }
0xa1: {  	s23 =	simm.s32 $0x1B8B  }
0xa2: {  	_ =	swait.ge [sflag:s23], $0x1  }
0xa3: {  	[sflag:s23] =	ssyncset.done $0x0  }
0xa4: {  	s25 =	simm.s32 $0x1B8E;
	s24 =	sld [smem:$0x3FFE];
	[sflag:s23] =	ssyncadd.s32 $0xFFFFFFFF  }
0xa5: {  	s26 =	simm.s32 $execute0_lowered;
	[smem:$0x3FD2] =	sst s25  }
0xa6: {  	s5 =	sshll.u32 s26, $0x1;
	_ =	strace $0x80000046;
	[dreg:$0x1] =	wrdreg $0xFFFFFFFF  }
0xa7: {  	s28 =	simm.s32 $_size_execute0_lowered;
	s3 =	sadd.s32 s3, s5;
	[dreg:$0x0] =	wrdreg $0x0  }
0xa8: {  	s5 =	sshll.u32 s28, $0x1;
	[dreg:$0x2] =	wrdreg s3  }
0xa9: {  	[dreg:$0x3] =	wrdreg s5  }
0xaa: {  	[dreg:$0x4] =	wrdreg $0xC0  }
0xab: {  	_ =	task [dreg:s7], $0x5FFFF  }
0xac: {  	[dreg:$0x1] =	wrdreg $0xFFFFFFFF  }
0xad: {  	[dreg:$0x0] =	wrdreg $0x60  }
0xae: {  	[dreg:$0x2] =	wrdreg s24  }
0xaf: {  	[dreg:$0x3] =	wrdreg s2  }
0xb0: {  	[dreg:$0x4] =	wrdreg $0x9  }
0xb1: {  	_ =	task.clear_ibuf [dreg:s7], $0x5FFFF;
	_ =	strace $0x90000046  }
0xb2: {  	s29 =	simm.s32 $0x9;
	_ =	strace $0x80000048  }
0xb3: {  	_ =	swait.ge [sflag:s29], $0x1  }
0xb4: {  	[sflag:s29] =	ssyncadd.s32 $0xFFFFFFFF  }
0xb5: {  	_ =	strace $0x90000048  }
0xb6: {  	_ =	sfence  }
0xb7: {  	s30 =	sld [smem:$0x0];
	_ =	sdelay $0x2  }
0xb8: {  	s31 =	sshll.u32 s1, $0xD;
	s1 =	sshrl.u32 s1, $0x2  }
0xb9: {  	s3 =	sand.u32 $0x4000, s31;
	s1 =	sadd.s32 s1, s30  }
0xba: {  	s0 =	sor.u32 s3, s0;
	s1 =	sshll.u32 s1, $0x11  }
0xbb: {  	s0 =	sor.u32 s1, s0  }
0xbc: {  	s0 =	sadd.s32 $0x8F2B, s0  }
0xbd: {  	[sflag:s0] =	ssyncadd.remote.s32 $0x1  }
0xbe: {  	_ =	sfence.sel $0xFFFF  }
0xbf: {  	[dreg:$0x0] =	wrdreg $0xFFFFFFFF;
	(pc) =	sbr.abs _section_cstart, $3  }
0xc0: {  	[dreg:$0x1] =	wrdreg $0xFFFFFFFF  }
0xc1: {  	_ =	task.clear_ibuf [dreg:s7], $0x2FFFF;
	_ =	strace $0x9FFFFFFF  }
0xc2: {  	(tm) =	ssettm $0x7FFFFFFF  }
0xc3: {  	_ =	shalt  }
tec
execute0_lowered:
.L_overlay_start_1:
0x0: {  	(tag) =	ssettag $0x1  }
0x1: {  	s0 =	rddreg [dreg:$0x0]  }
0x2: {  	s1 =	rddreg [dreg:$0x1]  }
0x3: {  	s2 =	simm.s32 $0x0;
	s4 =	srdreg.scid;
	s8 =	stileid.u32  }
0x4: {  	s12 =	simm.s32 $0x280;
	s13 =	simm.s32 $0x80;
	s14 =	simm.s32 $0x290  }
0x5: {  	s15 =	simm.s32 $0x2290;
	s16 =	simm.s32 $0x100;
	s17 =	simm.s32 $0x4290  }
0x6: {  	s18 =	simm.s32 $0x180;
	s19 =	simm.s32 $0x6290;
	s20 =	simm.s32 $0x200  }
0x7: {  	s21 =	simm.s32 $0x8290;
	s22 =	simm.s32 $0x10;
	s23 =	simm.s32 $0xA290  }
0x8: {  	s24 =	simm.s32 $0x1;
	s25 =	simm.s32 $0xA690;
	s26 =	simm.s32 $0xA790  }
0x9: {  	s28 =	simm.s32 $0x0;
	[smem:$0x7FF] =	sst s2;
	s4 =	sand.u32 $0x1, s4  }
0xa: {  	s3 =	sadd.s32 $0x2A00, s0;
	s5 =	sadd.s32 $0x24CA00, s0;
	s9 =	ssub.s32 $0x2, s4  }
0xb: {  	s6 =	sadd.s32 $0x189400, s0;
	s7 =	sadd.s32 $0x1EA00, s0;
	s10 =	sshrl.u32 s9, $0x1  }
0xc: {  	s11 =	sshll.u32 s8, $0xA;
	s8 =	sadd.s32 $0x16A00, s0;
	s31 =	ssub.s32 s9, s10  }
0xd: {  	_ =	strace $0x80000047;
	s4 =	sshll.u32 s4, $0x9;
	s0 =	smax.u32 s31, $0x1  }
0xe: {  	s9 =	sor.u32 s4, s11;
	s11 =	simm.s32 $0x2;
	[dreg:$0x3] =	wrdreg s0  }
.LBB2_1:
0xf: {  	s29 =	simm.s32 $0x0  }
.LBB2_2:
0x10: {  	s0 =	sshll.u32 s29, $0x4  }
0x11: {  	s30 =	sadd.s32 s9, s0  }
0x12: {  	s0 =	smul.u32 $0x5, s30;
	_ =	sdelay $0x1  }
0x13: {  	s31 =	simm.s32 $0x0;
	s0 =	sadd.s32 s3, s0  }
0x14: {  	[tilespmem:s31], [sflag:$0x2] =	stream.linear.gather [hbm4b:s0+s31], $0x280, $0x38;
	[tilespmem:$0xA890] =	vst v63  }
0x15: {  	_ =	swait.ge [sflag:s11], $0x280  }
0x16: {  	s10 =	sshrl.u32 s30, $0x3;
	[sflag:s11] =	ssyncset.done $0x0  }
0x17: {  	s0 =	sadd.s32 s1, s10;
	[sflag:s11] =	ssyncadd.s32 $0xFFFFFD80  }
0x18: {  	[tilespmem:s12], [sflag:$0x2] =	stream.linear.gather [hbm4b:s0+s31], $0x10, $0x38;
	[tilespmem:$0xA890] =	vst v63  }
0x19: {  	_ =	swait.ge [sflag:s11], $0x10  }
0x1a: {  	[sflag:s11] =	ssyncset.done $0x0  }
0x1b: {  	[sflag:s11] =	ssyncadd.s32 $0xFFFFFFF0  }
0x1c: {  	[tilespmem:s14], [sflag:$0x1] =	stream.indirect.gather [hbm4b:s6+s13], $0x40, s31, s13, $0xb8;
	[tilespmem:$0xA890] =	vst v63  }
0x1d: {  	_ = 	snop  }
0x1e: {  	[tilespmem:s15], [sflag:$0x1] =	stream.indirect.gather [hbm4b:s6+s13], $0x40, s13, s13, $0xb8;
	[tilespmem:$0xA890] =	vst v63  }
0x1f: {  	_ = 	snop  }
0x20: {  	[tilespmem:s17], [sflag:$0x1] =	stream.indirect.gather [hbm4b:s6+s13], $0x40, s16, s13, $0xb8;
	[tilespmem:$0xA890] =	vst v63  }
0x21: {  	_ = 	snop  }
0x22: {  	[tilespmem:s19], [sflag:$0x1] =	stream.indirect.gather [hbm4b:s6+s13], $0x40, s18, s13, $0xb8;
	[tilespmem:$0xA890] =	vst v63  }
0x23: {  	_ = 	snop  }
0x24: {  	[tilespmem:s21], [sflag:$0x1] =	stream.indirect.gather [hbm4b:s6+s13], $0x40, s20, s13, $0xb8;
	[tilespmem:$0xA890] =	vst v63  }
0x25: {  	_ = 	snop  }
0x26: {  	[tilespmem:s23], [sflag:$0x1] =	stream.indirect.gather [hbm4b:s5+s22], $0x40, s12, s22, $0xb8;
	[tilespmem:$0xA890] =	vst v63  }
0x27: {  	_ =	swait.ge [sflag:s24], $0x2000  }
0x28: {  	[sflag:s24] =	ssyncset.done $0x0  }
0x29: {  	[sflag:s24] =	ssyncadd.s32 $0xFFFFE000  }
0x2a: {  	_ =	swait.ge [sflag:s24], $0x2000  }
0x2b: {  	[sflag:s24] =	ssyncset.done $0x0  }
0x2c: {  	[sflag:s24] =	ssyncadd.s32 $0xFFFFE000  }
0x2d: {  	_ =	swait.ge [sflag:s24], $0x2000  }
0x2e: {  	[sflag:s24] =	ssyncset.done $0x0  }
0x2f: {  	[sflag:s24] =	ssyncadd.s32 $0xFFFFE000  }
0x30: {  	_ =	swait.ge [sflag:s24], $0x2000  }
0x31: {  	[sflag:s24] =	ssyncset.done $0x0  }
0x32: {  	[sflag:s24] =	ssyncadd.s32 $0xFFFFE000  }
0x33: {  	_ =	swait.ge [sflag:s24], $0x2000  }
0x34: {  	[sflag:s24] =	ssyncset.done $0x0  }
0x35: {  	[sflag:s24] =	ssyncadd.s32 $0xFFFFE000  }
0x36: {  	_ =	swait.ge [sflag:s24], $0x400  }
0x37: {  	[sflag:s24] =	ssyncset.done $0x0  }
0x38: {  	s4 =	simm.s32 $0x790;
	s0 =	simm.s32 $0xA2B0;
	[sflag:s24] =	ssyncadd.s32 $0xFFFFFC00  }
.LBB2_3:
0x39: {  	v2 =	vld [tilespmem:s4+$0xFFFFFB00]  }
0x3a: {  	v3 =	vld [tilespmem:s4+$0xFFFFFB10]  }
0x3b: {  	v4 =	vld [tilespmem:s4+$0xFFFFFB20]  }
0x3c: {  	v5 =	vld [tilespmem:s4+$0xFFFFFB30]  }
0x3d: {  	v6 =	vld [tilespmem:s4+$0xFFFFFB40]  }
0x3e: {  	v7 =	vld [tilespmem:s4+$0xFFFFFB50]  }
0x3f: {  	v8 =	vld [tilespmem:s4+$0xFFFFFB60]  }
0x40: {  	v9 =	vld [tilespmem:s4+$0xFFFFFB70]  }
0x41: {  	v10 =	vld [tilespmem:s4+$0xFFFFFB80]  }
0x42: {  	v11 =	vld [tilespmem:s4+$0xFFFFFB90]  }
0x43: {  	v12 =	vld [tilespmem:s4+$0xFFFFFBA0]  }
0x44: {  	v13 =	vld [tilespmem:s4+$0xFFFFFBB0]  }
0x45: {  	v14 =	vld [tilespmem:s4+$0xFFFFFBC0]  }
0x46: {  	v15 =	vld [tilespmem:s4+$0xFFFFFBD0]  }
0x47: {  	v16 =	vld [tilespmem:s4+$0xFFFFFBE0]  }
0x48: {  	v17 =	vld [tilespmem:s4+$0xFFFFFBF0]  }
0x49: {  	v18 =	vld [tilespmem:s4+$0xFFFFFC00]  }
0x4a: {  	v19 =	vld [tilespmem:s4+$0xFFFFFC10]  }
0x4b: {  	v20 =	vld [tilespmem:s4+$0xFFFFFC20]  }
0x4c: {  	v21 =	vld [tilespmem:s4+$0xFFFFFC30]  }
0x4d: {  	v22 =	vld [tilespmem:s4+$0xFFFFFC40]  }
0x4e: {  	v23 =	vld [tilespmem:s4+$0xFFFFFC50]  }
0x4f: {  	v24 =	vld [tilespmem:s4+$0xFFFFFC60]  }
0x50: {  	v25 =	vld [tilespmem:s4+$0xFFFFFC70]  }
0x51: {  	v26 =	vld [tilespmem:s4+$0xFFFFFC80]  }
0x52: {  	v27 =	vld [tilespmem:s4+$0xFFFFFC90]  }
0x53: {  	v28 =	vld [tilespmem:s4+$0xFFFFFCA0]  }
0x54: {  	v29 =	vld [tilespmem:s4+$0xFFFFFCB0]  }
0x55: {  	v30 =	vld [tilespmem:s4+$0xFFFFFCC0]  }
0x56: {  	v31 =	vld [tilespmem:s4+$0xFFFFFCD0]  }
0x57: {  	v32 =	vld [tilespmem:s4+$0xFFFFFCE0]  }
0x58: {  	v33 =	vld [tilespmem:s4+$0xFFFFFCF0]  }
0x59: {  	v34 =	vld [tilespmem:s4+$0xFFFFFD00]  }
0x5a: {  	v35 =	vld [tilespmem:s4+$0xFFFFFD10]  }
0x5b: {  	v36 =	vld [tilespmem:s4+$0xFFFFFD20]  }
0x5c: {  	v37 =	vld [tilespmem:s4+$0xFFFFFD30]  }
0x5d: {  	v38 =	vld [tilespmem:s4+$0xFFFFFD40]  }
0x5e: {  	v0 =	vld [tilespmem:s4+$0xFFFFFEE0]  }
0x5f: {  	v39 =	vld [tilespmem:s4+$0xFFFFFD50]  }
0x60: {  	v40 =	vld [tilespmem:s4+$0xFFFFFD60]  }
0x61: {  	v41 =	vld [tilespmem:s4+$0xFFFFFD70]  }
0x62: {  	v42 =	vld [tilespmem:s4+$0xFFFFFD80]  }
0x63: {  	[tilespmem:$0x1FE50] =	vst v0;
	v0 =	vld [tilespmem:s4+$0xFFFFFEF0]  }
0x64: {  	v43 =	vld [tilespmem:s4+$0xFFFFFD90]  }
0x65: {  	v44 =	vld [tilespmem:s4+$0xFFFFFDA0]  }
0x66: {  	v45 =	vld [tilespmem:s4+$0xFFFFFDB0]  }
0x67: {  	v46 =	vld [tilespmem:s4+$0xFFFFFDC0]  }
0x68: {  	[tilespmem:$0x1FE60] =	vst v0;
	v0 =	vld [tilespmem:s4+$0xFFFFFF00]  }
0x69: {  	v47 =	vld [tilespmem:s4+$0xFFFFFDD0]  }
0x6a: {  	v48 =	vld [tilespmem:s4+$0xFFFFFDE0]  }
0x6b: {  	v49 =	vld [tilespmem:s4+$0xFFFFFDF0]  }
0x6c: {  	v50 =	vld [tilespmem:s4+$0xFFFFFE00]  }
0x6d: {  	[tilespmem:$0x1FE70] =	vst v0;
	v0 =	vld [tilespmem:s4+$0xFFFFFF10]  }
0x6e: {  	v51 =	vld [tilespmem:s4+$0xFFFFFE10]  }
0x6f: {  	v52 =	vld [tilespmem:s4+$0xFFFFFE20]  }
0x70: {  	v53 =	vld [tilespmem:s4+$0xFFFFFE30]  }
0x71: {  	v54 =	vld [tilespmem:s4+$0xFFFFFE40]  }
0x72: {  	[tilespmem:$0x1FE80] =	vst v0;
	v0 =	vld [tilespmem:s4+$0xFFFFFF20]  }
0x73: {  	v55 =	vld [tilespmem:s4+$0xFFFFFE50]  }
0x74: {  	v56 =	vld [tilespmem:s4+$0xFFFFFE60]  }
0x75: {  	v57 =	vld [tilespmem:s4+$0xFFFFFE70]  }
0x76: {  	v58 =	vld [tilespmem:s4+$0xFFFFFE80]  }
0x77: {  	[tilespmem:$0x1FE90] =	vst v0;
	v0 =	vld [tilespmem:s4+$0xFFFFFF30]  }
0x78: {  	v59 =	vld [tilespmem:s4+$0xFFFFFE90]  }
0x79: {  	v60 =	vld [tilespmem:s4+$0xFFFFFEA0]  }
0x7a: {  	v1 =	vld [tilespmem:s4+$0x50]  }
0x7b: {  	v61 =	vld [tilespmem:s4+$0xFFFFFEB0]  }
0x7c: {  	[tilespmem:$0x1FEA0] =	vst v0;
	v0 =	vld [tilespmem:s4+$0xFFFFFF40]  }
0x7d: {  	v62 =	vld [tilespmem:s4+$0xFFFFFEC0]  }
0x7e: {  	v63 =	vld [tilespmem:s4+$0xFFFFFED0]  }
0x7f: {  	[tilespmem:$0x1FF60] =	vst v1;
	v1 =	vld [tilespmem:s4+$0x60]  }
0x80: {  	v2 =	vadd.f32 v6, v2;
	v6 =	vld [tilespmem:s4+$0xA0]  }
0x81: {  	[tilespmem:$0x1FEB0] =	vst v0;
	v0 =	vld [tilespmem:s4+$0xFFFFFF50]  }
0x82: {  	v3 =	vadd.f32 v7, v3;
	v7 =	vld [tilespmem:s4+$0xB0]  }
0x83: {  	v4 =	vadd.f32 v8, v4;
	v8 =	vld [tilespmem:s4+$0xC0]  }
0x84: {  	v5 =	vadd.f32 v9, v5;
	v9 =	vld [tilespmem:s4+$0xD0]  }
0x85: {  	v2 =	vadd.f32 v10, v2;
	v10 =	vld [tilespmem:s4+$0xE0]  }
0x86: {  	[tilespmem:$0x1FEC0] =	vst v0;
	v0 =	vld [tilespmem:s4+$0xFFFFFF60]  }
0x87: {  	v3 =	vadd.f32 v11, v3;
	v11 =	vld [tilespmem:s4+$0xF0]  }
0x88: {  	v4 =	vadd.f32 v12, v4;
	v12 =	vld [tilespmem:s4+$0x100]  }
0x89: {  	v5 =	vadd.f32 v13, v5;
	v13 =	vld [tilespmem:s4+$0x110]  }
0x8a: {  	v2 =	vadd.f32 v14, v2;
	v14 =	vld [tilespmem:s4+$0x120]  }
0x8b: {  	[tilespmem:$0x1FED0] =	vst v0;
	v0 =	vld [tilespmem:s4+$0xFFFFFF70]  }
0x8c: {  	v3 =	vadd.f32 v15, v3;
	v15 =	vld [tilespmem:s4+$0x130]  }
0x8d: {  	v4 =	vadd.f32 v16, v4;
	v16 =	vld [tilespmem:s4+$0x140]  }
0x8e: {  	v5 =	vadd.f32 v17, v5;
	v17 =	vld [tilespmem:s4+$0x150]  }
0x8f: {  	[tilespmem:$0x1FFA0] =	vst v1;
	v1 =	vld [tilespmem:s4+$0x70]  }
0x90: {  	[tilespmem:$0x1FEE0] =	vst v0;
	v0 =	vld [tilespmem:s4+$0xFFFFFF80]  }
0x91: {  	v2 =	vadd.f32 v18, v2;
	v18 =	vld [tilespmem:s4+$0x160]  }
0x92: {  	v3 =	vadd.f32 v19, v3;
	v19 =	vld [tilespmem:s4+$0x170]  }
0x93: {  	v4 =	vadd.f32 v20, v4;
	v20 =	vld [tilespmem:s4+$0x180]  }
0x94: {  	v5 =	vadd.f32 v21, v5;
	v21 =	vld [tilespmem:s4+$0x190]  }
0x95: {  	[tilespmem:$0x1FEF0] =	vst v0;
	v0 =	vld [tilespmem:s4+$0xFFFFFF90]  }
0x96: {  	v2 =	vadd.f32 v22, v2;
	v22 =	vld [tilespmem:s4+$0x1A0]  }
0x97: {  	v3 =	vadd.f32 v23, v3;
	v23 =	vld [tilespmem:s4+$0x1B0]  }
0x98: {  	v4 =	vadd.f32 v24, v4;
	v24 =	vld [tilespmem:s4+$0x1C0]  }
0x99: {  	v5 =	vadd.f32 v25, v5;
	v25 =	vld [tilespmem:s4+$0x1D0]  }
0x9a: {  	[tilespmem:$0x1FF00] =	vst v0;
	v0 =	vld [tilespmem:s4+$0xFFFFFFA0]  }
0x9b: {  	[tilespmem:$0x1FFD0] =	vst v1;
	v1 =	vld [tilespmem:s4+$0x80]  }
0x9c: {  	v2 =	vadd.f32 v26, v2;
	v26 =	vld [tilespmem:s4+$0x1E0]  }
0x9d: {  	v3 =	vadd.f32 v27, v3;
	v27 =	vld [tilespmem:s4+$0x1F0]  }
0x9e: {  	v4 =	vadd.f32 v28, v4;
	v28 =	vld [tilespmem:s4+$0x200]  }
0x9f: {  	[tilespmem:$0x1FF10] =	vst v0;
	v0 =	vld [tilespmem:s4+$0xFFFFFFB0]  }
0xa0: {  	v5 =	vadd.f32 v29, v5;
	v29 =	vld [tilespmem:s4+$0x210]  }
0xa1: {  	v2 =	vadd.f32 v30, v2;
	v30 =	vld [tilespmem:s4+$0x220]  }
0xa2: {  	v3 =	vadd.f32 v31, v3;
	v31 =	vld [tilespmem:s4+$0x230]  }
0xa3: {  	v4 =	vadd.f32 v32, v4;
	v32 =	vld [tilespmem:s4+$0x240]  }
0xa4: {  	[tilespmem:$0x1FF30] =	vst v0;
	v0 =	vld [tilespmem:s4+$0xFFFFFFC0]  }
0xa5: {  	v5 =	vadd.f32 v33, v5;
	v33 =	vld [tilespmem:s4+$0x250]  }
0xa6: {  	v2 =	vadd.f32 v34, v2;
	v34 =	vld [tilespmem:s4+$0x260]  }
0xa7: {  	v3 =	vadd.f32 v35, v3;
	v35 =	vld [tilespmem:s4+$0x270]  }
0xa8: {  	v4 =	vadd.f32 v36, v4;
	v36 =	vld [tilespmem:s4+$0x280]  }
0xa9: {  	[tilespmem:$0x1FF40] =	vst v0;
	v0 =	vld [tilespmem:s4+$0xFFFFFFD0]  }
0xaa: {  	v5 =	vadd.f32 v37, v5;
	v37 =	vld [tilespmem:s4+$0x290]  }
0xab: {  	[tilespmem:$0x1FF70] =	vst v1;
	v1 =	vld [tilespmem:s4+$0x90]  }
0xac: {  	v2 =	vadd.f32 v38, v2;
	v38 =	vld [tilespmem:s4+$0x2A0]  }
0xad: {  	v3 =	vadd.f32 v39, v3;
	v39 =	vld [tilespmem:s4+$0x2B0]  }
0xae: {  	[tilespmem:$0x1FF80] =	vst v0;
	v0 =	vld [tilespmem:s4+$0xFFFFFFE0]  }
0xaf: {  	v4 =	vadd.f32 v40, v4;
	v40 =	vld [tilespmem:s4+$0x2C0]  }
0xb0: {  	v5 =	vadd.f32 v41, v5;
	v41 =	vld [tilespmem:s4+$0x2D0]  }
0xb1: {  	v2 =	vadd.f32 v42, v2;
	v42 =	vld [tilespmem:$0x1FE50]  }
0xb2: {  	v3 =	vadd.f32 v43, v3;
	v4 =	vadd.f32 v44, v4;
	v43 =	vld [tilespmem:$0x1FE60]  }
0xb3: {  	[tilespmem:$0x1FFE0] =	vst v0;
	v0 =	vld [tilespmem:s4+$0xFFFFFFF0]  }
0xb4: {  	v44 =	vld [tilespmem:$0x1FE70];
	v3 =	vadd.f32 v47, v3;
	v4 =	vadd.f32 v48, v4  }
0xb5: {  	v5 =	vadd.f32 v45, v5;
	v45 =	vld [tilespmem:$0x1FE80]  }
0xb6: {  	[tilespmem:$0x1FFB0] =	vst v1;
	v1 =	vld [tilespmem:s4+$0x2F0];
	v3 =	vadd.f32 v51, v3;
	v4 =	vadd.f32 v52, v4  }
0xb7: {  	v2 =	vadd.f32 v46, v2;
	v46 =	vld [tilespmem:$0x1FE90]  }
0xb8: {  	v3 =	vadd.f32 v55, v3;
	v4 =	vadd.f32 v56, v4;
	[tilespmem:$0x1FFF0] =	vst v0;
	v0 =	vld [tilespmem:s4+$0x0]  }
0xb9: {  	v2 =	vadd.f32 v50, v2;
	v47 =	vld [tilespmem:$0x1FEA0]  }
0xba: {  	v3 =	vadd.f32 v59, v3;
	v4 =	vadd.f32 v60, v4;
	v59 =	vld [tilespmem:$0x1FF60]  }
0xbb: {  	v2 =	vadd.f32 v54, v2;
	v60 =	vld [tilespmem:$0x1FF70]  }
0xbc: {  	v4 =	vadd.f32 v42, v4;
	v42 =	vld [tilespmem:s4+$0x2E0]  }
0xbd: {  	v2 =	vadd.f32 v58, v2;
	[tilespmem:$0x1FF20] =	vst v0;
	v0 =	vld [tilespmem:s4+$0x10]  }
0xbe: {  	v3 =	vadd.f32 v63, v3;
	v48 =	vld [tilespmem:$0x1FEB0]  }
0xbf: {  	v2 =	vadd.f32 v62, v2;
	v63 =	vld [tilespmem:$0x1FFA0]  }
0xc0: {  	v3 =	vadd.f32 v45, v3;
	v45 =	vld [tilespmem:s4+$0x300]  }
0xc1: {  	v5 =	vadd.f32 v49, v5;
	v2 =	vadd.f32 v44, v2;
	v49 =	vld [tilespmem:$0x1FEC0]  }
0xc2: {  	[tilespmem:$0x1FF50] =	vst v0;
	v0 =	vld [tilespmem:s4+$0x20]  }
0xc3: {  	v2 =	vadd.f32 v48, v2;
	v48 =	vld [tilespmem:$0x1FFB0]  }
0xc4: {  	v50 =	vld [tilespmem:$0x1FED0]  }
0xc5: {  	v5 =	vadd.f32 v53, v5;
	v51 =	vld [tilespmem:$0x1FEE0]  }
0xc6: {  	v52 =	vld [tilespmem:$0x1FEF0]  }
0xc7: {  	v5 =	vadd.f32 v57, v5;
	[tilespmem:$0x1FF90] =	vst v0;
	v0 =	vld [tilespmem:s4+$0x30]  }
0xc8: {  	v53 =	vld [tilespmem:$0x1FF00]  }
0xc9: {  	v5 =	vadd.f32 v61, v5;
	v54 =	vld [tilespmem:$0x1FF10]  }
0xca: {  	v56 =	vld [tilespmem:$0x1FF30]  }
0xcb: {  	v5 =	vadd.f32 v43, v5;
	v55 =	vld [tilespmem:$0x1FF20]  }
0xcc: {  	[tilespmem:$0x1FFC0] =	vst v0;
	v0 =	vld [tilespmem:s4+$0x40]  }
0xcd: {  	v4 =	vadd.f32 v46, v4;
	v5 =	vadd.f32 v47, v5;
	v58 =	vld [tilespmem:$0x1FF50]  }
0xce: {  	v3 =	vadd.f32 v49, v3;
	v57 =	vld [tilespmem:$0x1FF40]  }
0xcf: {  	v4 =	vadd.f32 v50, v4;
	v5 =	vadd.f32 v51, v5;
	v62 =	vld [tilespmem:$0x1FF90]  }
0xd0: {  	v2 =	vadd.f32 v52, v2;
	v3 =	vadd.f32 v53, v3;
	v61 =	vld [tilespmem:$0x1FF80]  }
0xd1: {  	v51 =	vld [tilespmem:$0x1FFD0];
	v4 =	vadd.f32 v54, v4;
	v0 =	vadd.f32 v0, v55  }
0xd2: {  	v5 =	vadd.f32 v56, v5;
	v43 =	vadd.f32 v59, v58;
	v50 =	vld [tilespmem:$0x1FFC0]  }
0xd3: {  	v47 =	vld [tilespmem:s4+$0x490];
	v2 =	vadd.f32 v57, v2;
	v0 =	vadd.f32 v60, v0  }
0xd4: {  	v49 =	vld [tilespmem:s4+$0x310];
	v43 =	vadd.f32 v48, v43;
	v44 =	vadd.f32 v63, v62  }
0xd5: {  	v52 =	vld [tilespmem:s4+$0x320];
	v3 =	vadd.f32 v61, v3;
	v0 =	vadd.f32 v8, v0  }
0xd6: {  	v53 =	vld [tilespmem:s4+$0x330];
	v9 =	vadd.f32 v9, v43;
	v6 =	vadd.f32 v6, v44  }
0xd7: {  	v54 =	vld [tilespmem:s4+$0x340];
	v46 =	vadd.f32 v51, v50;
	v0 =	vadd.f32 v12, v0  }
0xd8: {  	v56 =	vld [tilespmem:s4+$0x360];
	v9 =	vadd.f32 v13, v9;
	v6 =	vadd.f32 v10, v6  }
0xd9: {  	v57 =	vld [tilespmem:s4+$0x370];
	v7 =	vadd.f32 v7, v46;
	v0 =	vadd.f32 v16, v0  }
0xda: {  	v61 =	vld [tilespmem:s4+$0x3B0];
	v9 =	vadd.f32 v17, v9;
	v6 =	vadd.f32 v14, v6  }
0xdb: {  	v58 =	vld [tilespmem:s4+$0x380];
	v7 =	vadd.f32 v11, v7;
	v0 =	vadd.f32 v20, v0  }
0xdc: {  	v59 =	vld [tilespmem:s4+$0x390];
	v9 =	vadd.f32 v21, v9;
	v6 =	vadd.f32 v18, v6  }
0xdd: {  	v48 =	vld [tilespmem:s4+$0x4A0];
	v7 =	vadd.f32 v15, v7;
	v0 =	vadd.f32 v24, v0  }
0xde: {  	v43 =	vld [tilespmem:s4+$0x450];
	v9 =	vadd.f32 v25, v9;
	v6 =	vadd.f32 v22, v6  }
0xdf: {  	v62 =	vld [tilespmem:s4+$0x3C0];
	v7 =	vadd.f32 v19, v7;
	v0 =	vadd.f32 v28, v0  }
0xe0: {  	v63 =	vld [tilespmem:s4+$0x3D0];
	v9 =	vadd.f32 v29, v9;
	v6 =	vadd.f32 v26, v6  }
0xe1: {  	v44 =	vld [tilespmem:s4+$0x460];
	v7 =	vadd.f32 v23, v7;
	v0 =	vadd.f32 v32, v0  }
0xe2: {  	v55 =	vld [tilespmem:s4+$0x350];
	v9 =	vadd.f32 v33, v9;
	v6 =	vadd.f32 v30, v6  }
0xe3: {  	v50 =	vld [tilespmem:s4+$0x4C0];
	v7 =	vadd.f32 v27, v7;
	v0 =	vadd.f32 v36, v0  }
0xe4: {  	v51 =	vld [tilespmem:s0+$0xFFFFFFE0];
	v9 =	vadd.f32 v37, v9;
	v6 =	vadd.f32 v34, v6  }
0xe5: {  	v60 =	vld [tilespmem:s4+$0x3A0];
	v7 =	vadd.f32 v31, v7;
	v0 =	vadd.f32 v40, v0  }
0xe6: {  	v46 =	vld [tilespmem:s4+$0x480];
	v9 =	vadd.f32 v41, v9;
	v6 =	vadd.f32 v38, v6  }
0xe7: {  	v33 =	vld [tilespmem:s4+$0x3F0];
	v7 =	vadd.f32 v35, v7;
	v0 =	vadd.f32 v45, v0  }
0xe8: {  	v37 =	vld [tilespmem:s4+$0x410];
	v8 =	vadd.f32 v49, v9;
	v6 =	vadd.f32 v42, v6  }
0xe9: {  	v41 =	vld [tilespmem:s4+$0x430];
	v7 =	vadd.f32 v39, v7;
	v0 =	vadd.f32 v54, v0  }
0xea: {  	v8 =	vadd.f32 v55, v8;
	v36 =	vld [tilespmem:s4+$0x400];
	v6 =	vadd.f32 v52, v6  }
0xeb: {  	v32 =	vld [tilespmem:s4+$0x3E0];
	v1 =	vadd.f32 v1, v7;
	v0 =	vadd.f32 v58, v0  }
0xec: {  	v42 =	vld [tilespmem:s4+$0x440];
	v8 =	vadd.f32 v59, v8;
	v6 =	vadd.f32 v56, v6  }
0xed: {  	v40 =	vld [tilespmem:s4+$0x420];
	v1 =	vadd.f32 v53, v1;
	v0 =	vadd.f32 v62, v0  }
0xee: {  	v49 =	vld [tilespmem:s4+$0x4B0];
	v8 =	vadd.f32 v63, v8;
	v6 =	vadd.f32 v60, v6  }
0xef: {  	v52 =	vld [tilespmem:s4+$0x4D0];
	v1 =	vadd.f32 v57, v1;
	v0 =	vadd.f32 v36, v0  }
0xf0: {  	v56 =	vld [tilespmem:$0x1FFE0];
	v8 =	vadd.f32 v37, v8;
	v6 =	vadd.f32 v32, v6  }
0xf1: {  	v45 =	vld [tilespmem:s4+$0x470];
	v1 =	vadd.f32 v61, v1;
	v0 =	vadd.f32 v42, v0  }
0xf2: {  	v8 =	vadd.f32 v43, v8;
	v53 =	vld [tilespmem:s0+$0xFFFFFFF0];
	v6 =	vadd.f32 v40, v6  }
0xf3: {  	v54 =	vld [tilespmem:s4+$0x4E0];
	v1 =	vadd.f32 v33, v1;
	v0 =	vadd.f32 v46, v0  }
0xf4: {  	v2 =	vmul.f32 v51, v2;
	v55 =	vld [tilespmem:s0+$0x0];
	v8 =	vadd.f32 v47, v8;
	v6 =	vadd.f32 v44, v6  }
0xf5: {  	v60 =	vld [tilespmem:$0x1FFF0];
	v1 =	vadd.f32 v41, v1;
	v0 =	vadd.f32 v50, v0  }
0xf6: {  	v2 =	vadd.f32 $0.0e+00, v2;
	v57 =	vld [tilespmem:s4+$0x4F0];
	v6 =	vadd.f32 v48, v6  }
0xf7: {  	v58 =	vld [tilespmem:s0+$0x10];
	v8 =	vadd.f32 v52, v8;
	v1 =	vadd.f32 v45, v1;
	v0 =	vmul.f32 v51, v0  }
0xf8: {  	v4 =	vadd.f32 v56, v4;
	v3 =	vmul.f32 v53, v3;
	v6 =	vadd.f32 v54, v6  }
0xf9: {  	v59 =	vmul.f32 v53, v8;
	v1 =	vadd.f32 v49, v1;
	v0 =	vadd.f32 $0.0e+00, v0  }
0xfa: {  	v5 =	vadd.f32 v60, v5;
	v61 =	vmul.f32 v55, v4;
	v2 =	vadd.f32 v3, v2  }
0xfb: {  	v62 =	vmul.f32 v55, v6;
	v1 =	vadd.f32 v57, v1;
	v0 =	vadd.f32 v59, v0  }
0xfc: {  	p0 =	sne.s32 s31, $0x3C0;
	v63 =	vmul.f32 v58, v5;
	v2 =	vadd.f32 v61, v2  }
.Ltmp0:
0xfd: {  	v1 =	vmul.f32 v58, v1;
	v0 =	vadd.f32 v62, v0;
	(pc) =	sbr.rel @p0 .LBB2_3-.Ltmp0, $4  }
0xfe: {  	v2 =	vadd.f32 v63, v2  }
0xff: {  	s10 =	sshra.s32 s31, $0x2;
	v0 =	vadd.f32 v1, v0  }
0x100: {  	[tilespmem:s10+$0xA690] =	vst v2  }
0x101: {  	s31 =	sadd.s32 $0x40, s31;
	s4 =	sadd.s32 $0xA00, s4;
	s0 =	sadd.s32 $0x40, s0;
	[tilespmem:s10+$0xA790] =	vst v0  }
0x102: {  	s0 =	sshll.u32 s30, $0x1  }
0x103: {  	s4 =	sadd.s32 s7, s0  }
0x104: {  	[hbm4b:s4+s2] =	stream.linear.scatter [tilespmem:s25], [sflag:$0x2], $0x100, $0x38;
	[tilespmem:$0xA890] =	vst v63  }
0x105: {  	s29 =	sadd.s32 $0x1, s29;
	_ =	swait.ge [sflag:s11], $0x100  }
0x106: {  	p0 =	sne.s32 s29, $0x20;
	[sflag:s11] =	ssyncset.done $0x0  }
.Ltmp1:
0x107: {  	s0 =	sadd.s32 s8, s0;
	[sflag:s11] =	ssyncadd.s32 $0xFFFFFF00;
	(pc) =	sbr.rel @p0 .LBB2_2-.Ltmp1, $4  }
0x108: {  	[hbm4b:s0+s2] =	stream.linear.scatter [tilespmem:s26], [sflag:$0x2], $0x100, $0x38;
	[tilespmem:$0xA890] =	vst v63  }
0x109: {  	_ =	swait.ge [sflag:s11], $0x100  }
0x10a: {  	[sflag:s11] =	ssyncset.done $0x0  }
0x10b: {  	[sflag:s11] =	ssyncadd.s32 $0xFFFFFF00  }
0x10c: {  	s28 =	sadd.s32 $0x1, s28;
	s0 =	rddreg [dreg:$0x3]  }
0x10d: {  	p0 =	sne.s32 s28, s0  }
.Ltmp2:
0x10e: {  	_ = 	snop;
	(pc) =	sbr.rel @p0 .LBB2_1-.Ltmp2, $1  }
0x10f: {  	_ =	sdelay $0x3  }
0x110: {  	_ =	sfence.sel $0x180000  }
0x111: {  	[bflag:$0x0] =	sbarrier.arrive $0xFFFF  }
0x112: {  	_ =	strace $0x90000047  }
0x113: {  	s0 =	stileid.u32;
	[bflag:$0x2] =	sbarrier.arrive $0xFFFF  }
0x114: {  	p0 =	sne.s32 s0, $0x0;
	s0 =	rddreg [dreg:$0x2]  }
0x115: {  	s0 =	sadd.s32 @!p0 $0x100000, s0  }
0x116: {  	[sflag:s0] =	ssyncadd.tile.s32 @!p0 $0x1;
	_ =	shalt  }
.Lfunc_end2:
_tile_overlayer_lowered:
.L_overlay_start_2:
0x117: {  	(tag) =	ssettag $0x2  }
0x118: {  	s0 =	rddreg [dreg:$0x0];
	s2 =	stileid.u32  }
0x119: {  	s1 =	rddreg [dreg:$0x1];
	p0 =	sne.s32 s2, $0x0  }
0x11a: {  	s3 =	rddreg [dreg:$0x2];
	[bflag:$0x3] =	sbarrier.arrive $0xFFFF;
	s2 =	simm.s32 @!p0 $0x1C02  }
0x11b: {  	[timem:s3], [sflag:s2] =	dma.local @!p0 [hbm:s0], s1  }
0x11c: {  	s0 =	simm.s32 @!p0 $0x2  }
0x11d: {  	_ =	swait.ge @!p0 [sflag:s0], s1  }
0x11e: {  	s1 =	ssub.s32 @!p0 $0x0, s1;
	[sflag:s0] =	ssyncset.done @!p0 $0x0  }
0x11f: {  	[sflag:s0] =	ssyncadd.s32 @!p0 s1  }
0x120: {  	[bflag:$0x3] =	sbarrier.arrive $0xFFFF  }
0x121: {  	_ =	shalt  }

</sc_bundles>
